<compile_context>
chip_gen: v7x
topology: tpu7x:2x2x1
jax: 0.10.2.dev20260603
libtpu: 0.0.44.dev20260713+nightly
codegen_flags: <defaults>
</compile_context>

<pallas_src>
import functools

import jax
import jax.numpy as jnp
from jax import lax
from jax.experimental import pallas as pl
from jax.experimental.pallas import tpu as pltpu, tpu_sc as plsc

_CHUNK = 128
_NBUF = 4


@functools.partial(jax.jit, static_argnums=(2, 3, 4))
def _sc_gather(ids3, weight, nw, chunks, dim):
    nc = 2
    mesh = plsc.VectorSubcoreMesh(core_axis_name="c", subcore_axis_name="s")
    n_rows = nw * chunks * _CHUNK
    ngroups = chunks // _NBUF
    assert chunks % _NBUF == 0 and ngroups >= 2

    @functools.partial(
        pl.kernel,
        out_type=jax.ShapeDtypeStruct((n_rows, dim), jnp.float32),
        mesh=mesh,
        scratch_types=[
            pltpu.VMEM((chunks, _CHUNK), jnp.int32),
            pltpu.VMEM((_NBUF, _CHUNK, dim), jnp.float32),
            pltpu.SemaphoreType.DMA((_NBUF,)),
            pltpu.SemaphoreType.DMA((_NBUF,)),
        ],
    )
    def k(ids_hbm, table_hbm, out_hbm, idx_v, rows_v, gsem, osem):
        wid = lax.axis_index("s") * nc + lax.axis_index("c")
        base = wid * (chunks * _CHUNK)
        pltpu.sync_copy(ids_hbm.at[wid], idx_v)

        def gather(j, b):
            return pltpu.make_async_copy(
                table_hbm.at[idx_v.at[j]], rows_v.at[b], gsem.at[b])

        def writeout(j, b):
            return pltpu.make_async_copy(
                rows_v.at[b], out_hbm.at[pl.ds(base + j * _CHUNK, _CHUNK)],
                osem.at[b])

        for b in range(_NBUF):
            gather(b, b).start()

        def group(g, carry):
            j0 = g * _NBUF
            for b in range(_NBUF):
                j = j0 + b
                gather(j, b).wait()
                writeout(j, b).start()
                writeout(j, b).wait()
                gather(j + _NBUF, b).start()
            return carry

        lax.fori_loop(0, ngroups - 1, group, 0)

        j0 = (ngroups - 1) * _NBUF
        for b in range(_NBUF):
            gather(j0 + b, b).wait()
            writeout(j0 + b, b).start()
        for b in range(_NBUF):
            writeout(j0 + b, b).wait()

    return k(ids3, weight)


def kernel(input_ids, weight):
    b, t = input_ids.shape
    n, dim = weight.shape
    total = b * t
    nw = 32
    assert total % (nw * _CHUNK) == 0
    chunks = total // (nw * _CHUNK)
    ids3 = input_ids.astype(jnp.int32).reshape(nw, chunks, _CHUNK)
    out = _sc_gather(ids3, weight, nw, chunks, dim)
    return out.reshape(b, t, dim)

# --- scband reference (transcript-rebuilt; emitter-appended) ---
"""Pipeline reference for scband-shared-embedding-fallback-69002944578154 (READ-ONLY COPY).

The authoritative reference and input builder live on the scoring server;
editing this copy changes nothing except your own understanding.
"""

import jax, jax.numpy as jnp
import numpy as np

NUM_EMBEDDINGS = 100000
EMBEDDING_DIM = 128

def setup_inputs(seed: int = 0) -> dict:
    key = jax.random.key(seed)
    k_idx, k_w = jax.random.split(key)
    input_ids = jax.random.randint(k_idx, (4096, 200), 0, NUM_EMBEDDINGS, dtype=jnp.int64 if jax.config.jax_enable_x64 else jnp.int32)
    weight = jax.random.normal(k_w, (NUM_EMBEDDINGS, EMBEDDING_DIM), dtype=jnp.float32)
    return {"input_ids": input_ids, "weight": weight}

def reference(input_ids, weight):
    # nn.Embedding forward: gather rows of the weight table by index
    return jnp.take(weight, input_ids, axis=0)

if __name__ == "__main__":
    import jax
    _d = setup_inputs()
    print(jax.jit(kernel)(*tuple(_d.values())))

</pallas_src>

<mosaic_0001>
#map = affine_map<(d0, d1) -> (0, 0, 0)>
#map1 = affine_map<(d0, d1) -> (0, 0)>
module attributes {stable_mosaic.version = 14 : i64} {
  func.func @k(%arg0: i32, %arg1: i32, %arg2: memref<32x200x128xi32, #tpu.memory_space<hbm>>, %arg3: memref<100000x128xf32, #tpu.memory_space<hbm>>, %arg4: memref<819200x128xf32, #tpu.memory_space<hbm>>, %arg5: memref<200x128xi32, #tpu.memory_space<vmem>>, %arg6: memref<4x128x128xf32, #tpu.memory_space<vmem>>, %arg7: memref<4x!tpu.dma_semaphore, #tpu.memory_space<semaphore_mem>>, %arg8: memref<4x!tpu.dma_semaphore, #tpu.memory_space<semaphore_mem>>) attributes {dimension_semantics = [#tpu.dimension_semantics<core_parallel>, #tpu.dimension_semantics<subcore_parallel>], iteration_bounds = array<i64: 2, 16>, scalar_prefetch = 0 : i64, scratch_operands = 4 : i64, tpu.core_type = #tpu.core_type<sc_vector_subcore>, window_params = [{transform_indices = #map}, {transform_indices = #map1}, {transform_indices = #map1}]} {
    %mul3A = arith.constant 2 : i32
    %mul3A_0 = arith.muli %arg1, %mul3A : i32
    %add3A = arith.addi %mul3A_0, %arg0 : i32
    %mul3A_1 = arith.constant 25600 : i32
    %mul3A_2 = arith.muli %add3A, %mul3A_1 : i32
    "tpu.region"() ({
      %run_scoped3A = tpu.sem_alloc : memref<!tpu.dma_semaphore, #tpu.memory_space<semaphore_mem>>
      %dma_start3A_270 = arith.constant 0 : i32
      %dma_start3A_271 = arith.constant 0 : i32
      %dma_start3A_272 = tpu.memref_slice %arg2[%add3A, %dma_start3A_270, %dma_start3A_271] : memref<32x200x128xi32, #tpu.memory_space<hbm>> -> memref<1x200x128xi32, #tpu.memory_space<hbm>>
      %dma_start3A_273 = tpu.memref_squeeze %dma_start3A_272 : memref<1x200x128xi32, #tpu.memory_space<hbm>> -> memref<200x128xi32, #tpu.memory_space<hbm>>
      %dma_start3A_274 = arith.constant 0 : i32
      %dma_start3A_275 = arith.constant 0 : i32
      %dma_start3A_276 = tpu.memref_slice %arg2[%add3A, %dma_start3A_274, %dma_start3A_275] : memref<32x200x128xi32, #tpu.memory_space<hbm>> -> memref<1x200x128xi32, #tpu.memory_space<hbm>>
      %dma_start3A_277 = tpu.memref_squeeze %dma_start3A_276 : memref<1x200x128xi32, #tpu.memory_space<hbm>> -> memref<200x128xi32, #tpu.memory_space<hbm>>
      tpu.enqueue_dma source(%dma_start3A_277 : memref<200x128xi32, #tpu.memory_space<hbm>>) target(%arg5 : memref<200x128xi32, #tpu.memory_space<vmem>>) target_semaphore(%run_scoped3A : memref<!tpu.dma_semaphore, #tpu.memory_space<semaphore_mem>>)
      %dma_wait3A_278 = arith.constant 0 : i32
      %dma_wait3A_279 = arith.constant 0 : i32
      %dma_wait3A_280 = tpu.memref_slice %arg2[%add3A, %dma_wait3A_278, %dma_wait3A_279] : memref<32x200x128xi32, #tpu.memory_space<hbm>> -> memref<1x200x128xi32, #tpu.memory_space<hbm>>
      %dma_wait3A_281 = tpu.memref_squeeze %dma_wait3A_280 : memref<1x200x128xi32, #tpu.memory_space<hbm>> -> memref<200x128xi32, #tpu.memory_space<hbm>>
      %dma_wait3A_282 = arith.constant 0 : i32
      %dma_wait3A_283 = arith.constant 0 : i32
      %dma_wait3A_284 = tpu.memref_slice %arg2[%add3A, %dma_wait3A_282, %dma_wait3A_283] : memref<32x200x128xi32, #tpu.memory_space<hbm>> -> memref<1x200x128xi32, #tpu.memory_space<hbm>>
      %dma_wait3A_285 = tpu.memref_squeeze %dma_wait3A_284 : memref<1x200x128xi32, #tpu.memory_space<hbm>> -> memref<200x128xi32, #tpu.memory_space<hbm>>
      tpu.wait_dma2 semaphore(%run_scoped3A : memref<!tpu.dma_semaphore, #tpu.memory_space<semaphore_mem>>) src(%dma_wait3A_285 : memref<200x128xi32, #tpu.memory_space<hbm>>) dst(%arg5 : memref<200x128xi32, #tpu.memory_space<vmem>>)
      tpu.yield
    }) : () -> ()
    %dma_start3A = arith.constant 0 : i32
    %dma_start3A_3 = arith.constant 0 : i32
    %dma_start3A_4 = arith.constant 0 : i32
    %dma_start3A_5 = arith.constant 0 : i32
    %dma_start3A_6 = arith.constant 0 : i32
    %dma_start3A_7 = tpu.memref_slice %arg6[%dma_start3A_3, %dma_start3A_5, %dma_start3A_6] : memref<4x128x128xf32, #tpu.memory_space<vmem>> -> memref<1x128x128xf32, #tpu.memory_space<vmem>>
    %dma_start3A_8 = tpu.memref_squeeze %dma_start3A_7 : memref<1x128x128xf32, #tpu.memory_space<vmem>> -> memref<128x128xf32, #tpu.memory_space<vmem>>
    %dma_start3A_9 = arith.constant 0 : i32
    %dma_start3A_10 = tpu.memref_slice %arg5[%dma_start3A, %dma_start3A_9] : memref<200x128xi32, #tpu.memory_space<vmem>> -> memref<1x128xi32, #tpu.memory_space<vmem>>
    %dma_start3A_11 = tpu.memref_squeeze %dma_start3A_10 : memref<1x128xi32, #tpu.memory_space<vmem>> -> memref<128xi32, #tpu.memory_space<vmem>>
    %dma_start3A_12 = arith.constant 0 : i32
    %dma_start3A_13 = arith.constant 0 : i32
    %dma_start3A_14 = tpu.memref_slice %arg3[%dma_start3A_12, %dma_start3A_13] : memref<100000x128xf32, #tpu.memory_space<hbm>> -> memref<100000x128xf32, #tpu.memory_space<hbm>>
    %dma_start3A_15 = tpu.memref_slice %arg7[%dma_start3A_4] : memref<4x!tpu.dma_semaphore, #tpu.memory_space<semaphore_mem>> -> memref<1x!tpu.dma_semaphore, #tpu.memory_space<semaphore_mem>>
    %dma_start3A_16 = tpu.memref_squeeze %dma_start3A_15 : memref<1x!tpu.dma_semaphore, #tpu.memory_space<semaphore_mem>> -> memref<!tpu.dma_semaphore, #tpu.memory_space<semaphore_mem>>
    tpu.enqueue_indirect_dma source(%dma_start3A_14 : memref<100000x128xf32, #tpu.memory_space<hbm>>) target(%dma_start3A_8 : memref<128x128xf32, #tpu.memory_space<vmem>>) offsets(%dma_start3A_11 : memref<128xi32, #tpu.memory_space<vmem>>) semaphore(%dma_start3A_16 : memref<!tpu.dma_semaphore, #tpu.memory_space<semaphore_mem>>)
    %dma_start3A_17 = arith.constant 1 : i32
    %dma_start3A_18 = arith.constant 1 : i32
    %dma_start3A_19 = arith.constant 1 : i32
    %dma_start3A_20 = arith.constant 0 : i32
    %dma_start3A_21 = arith.constant 0 : i32
    %dma_start3A_22 = tpu.memref_slice %arg6[%dma_start3A_18, %dma_start3A_20, %dma_start3A_21] : memref<4x128x128xf32, #tpu.memory_space<vmem>> -> memref<1x128x128xf32, #tpu.memory_space<vmem>>
    %dma_start3A_23 = tpu.memref_squeeze %dma_start3A_22 : memref<1x128x128xf32, #tpu.memory_space<vmem>> -> memref<128x128xf32, #tpu.memory_space<vmem>>
    %dma_start3A_24 = arith.constant 0 : i32
    %dma_start3A_25 = tpu.memref_slice %arg5[%dma_start3A_17, %dma_start3A_24] : memref<200x128xi32, #tpu.memory_space<vmem>> -> memref<1x128xi32, #tpu.memory_space<vmem>>
    %dma_start3A_26 = tpu.memref_squeeze %dma_start3A_25 : memref<1x128xi32, #tpu.memory_space<vmem>> -> memref<128xi32, #tpu.memory_space<vmem>>
    %dma_start3A_27 = arith.constant 0 : i32
    %dma_start3A_28 = arith.constant 0 : i32
    %dma_start3A_29 = tpu.memref_slice %arg3[%dma_start3A_27, %dma_start3A_28] : memref<100000x128xf32, #tpu.memory_space<hbm>> -> memref<100000x128xf32, #tpu.memory_space<hbm>>
    %dma_start3A_30 = tpu.memref_slice %arg7[%dma_start3A_19] : memref<4x!tpu.dma_semaphore, #tpu.memory_space<semaphore_mem>> -> memref<1x!tpu.dma_semaphore, #tpu.memory_space<semaphore_mem>>
    %dma_start3A_31 = tpu.memref_squeeze %dma_start3A_30 : memref<1x!tpu.dma_semaphore, #tpu.memory_space<semaphore_mem>> -> memref<!tpu.dma_semaphore, #tpu.memory_space<semaphore_mem>>
    tpu.enqueue_indirect_dma source(%dma_start3A_29 : memref<100000x128xf32, #tpu.memory_space<hbm>>) target(%dma_start3A_23 : memref<128x128xf32, #tpu.memory_space<vmem>>) offsets(%dma_start3A_26 : memref<128xi32, #tpu.memory_space<vmem>>) semaphore(%dma_start3A_31 : memref<!tpu.dma_semaphore, #tpu.memory_space<semaphore_mem>>)
    %dma_start3A_32 = arith.constant 2 : i32
    %dma_start3A_33 = arith.constant 2 : i32
    %dma_start3A_34 = arith.constant 2 : i32
    %dma_start3A_35 = arith.constant 0 : i32
    %dma_start3A_36 = arith.constant 0 : i32
    %dma_start3A_37 = tpu.memref_slice %arg6[%dma_start3A_33, %dma_start3A_35, %dma_start3A_36] : memref<4x128x128xf32, #tpu.memory_space<vmem>> -> memref<1x128x128xf32, #tpu.memory_space<vmem>>
    %dma_start3A_38 = tpu.memref_squeeze %dma_start3A_37 : memref<1x128x128xf32, #tpu.memory_space<vmem>> -> memref<128x128xf32, #tpu.memory_space<vmem>>
    %dma_start3A_39 = arith.constant 0 : i32
    %dma_start3A_40 = tpu.memref_slice %arg5[%dma_start3A_32, %dma_start3A_39] : memref<200x128xi32, #tpu.memory_space<vmem>> -> memref<1x128xi32, #tpu.memory_space<vmem>>
    %dma_start3A_41 = tpu.memref_squeeze %dma_start3A_40 : memref<1x128xi32, #tpu.memory_space<vmem>> -> memref<128xi32, #tpu.memory_space<vmem>>
    %dma_start3A_42 = arith.constant 0 : i32
    %dma_start3A_43 = arith.constant 0 : i32
    %dma_start3A_44 = tpu.memref_slice %arg3[%dma_start3A_42, %dma_start3A_43] : memref<100000x128xf32, #tpu.memory_space<hbm>> -> memref<100000x128xf32, #tpu.memory_space<hbm>>
    %dma_start3A_45 = tpu.memref_slice %arg7[%dma_start3A_34] : memref<4x!tpu.dma_semaphore, #tpu.memory_space<semaphore_mem>> -> memref<1x!tpu.dma_semaphore, #tpu.memory_space<semaphore_mem>>
    %dma_start3A_46 = tpu.memref_squeeze %dma_start3A_45 : memref<1x!tpu.dma_semaphore, #tpu.memory_space<semaphore_mem>> -> memref<!tpu.dma_semaphore, #tpu.memory_space<semaphore_mem>>
    tpu.enqueue_indirect_dma source(%dma_start3A_44 : memref<100000x128xf32, #tpu.memory_space<hbm>>) target(%dma_start3A_38 : memref<128x128xf32, #tpu.memory_space<vmem>>) offsets(%dma_start3A_41 : memref<128xi32, #tpu.memory_space<vmem>>) semaphore(%dma_start3A_46 : memref<!tpu.dma_semaphore, #tpu.memory_space<semaphore_mem>>)
    %dma_start3A_47 = arith.constant 3 : i32
    %dma_start3A_48 = arith.constant 3 : i32
    %dma_start3A_49 = arith.constant 3 : i32
    %dma_start3A_50 = arith.constant 0 : i32
    %dma_start3A_51 = arith.constant 0 : i32
    %dma_start3A_52 = tpu.memref_slice %arg6[%dma_start3A_48, %dma_start3A_50, %dma_start3A_51] : memref<4x128x128xf32, #tpu.memory_space<vmem>> -> memref<1x128x128xf32, #tpu.memory_space<vmem>>
    %dma_start3A_53 = tpu.memref_squeeze %dma_start3A_52 : memref<1x128x128xf32, #tpu.memory_space<vmem>> -> memref<128x128xf32, #tpu.memory_space<vmem>>
    %dma_start3A_54 = arith.constant 0 : i32
    %dma_start3A_55 = tpu.memref_slice %arg5[%dma_start3A_47, %dma_start3A_54] : memref<200x128xi32, #tpu.memory_space<vmem>> -> memref<1x128xi32, #tpu.memory_space<vmem>>
    %dma_start3A_56 = tpu.memref_squeeze %dma_start3A_55 : memref<1x128xi32, #tpu.memory_space<vmem>> -> memref<128xi32, #tpu.memory_space<vmem>>
    %dma_start3A_57 = arith.constant 0 : i32
    %dma_start3A_58 = arith.constant 0 : i32
    %dma_start3A_59 = tpu.memref_slice %arg3[%dma_start3A_57, %dma_start3A_58] : memref<100000x128xf32, #tpu.memory_space<hbm>> -> memref<100000x128xf32, #tpu.memory_space<hbm>>
    %dma_start3A_60 = tpu.memref_slice %arg7[%dma_start3A_49] : memref<4x!tpu.dma_semaphore, #tpu.memory_space<semaphore_mem>> -> memref<1x!tpu.dma_semaphore, #tpu.memory_space<semaphore_mem>>
    %dma_start3A_61 = tpu.memref_squeeze %dma_start3A_60 : memref<1x!tpu.dma_semaphore, #tpu.memory_space<semaphore_mem>> -> memref<!tpu.dma_semaphore, #tpu.memory_space<semaphore_mem>>
    tpu.enqueue_indirect_dma source(%dma_start3A_59 : memref<100000x128xf32, #tpu.memory_space<hbm>>) target(%dma_start3A_53 : memref<128x128xf32, #tpu.memory_space<vmem>>) offsets(%dma_start3A_56 : memref<128xi32, #tpu.memory_space<vmem>>) semaphore(%dma_start3A_61 : memref<!tpu.dma_semaphore, #tpu.memory_space<semaphore_mem>>)
    %scan3A = arith.constant 0 : i32
    %scan3A_62 = arith.constant 0 : i32
    %scan3A_63 = arith.constant 49 : i32
    %scan3A_64 = arith.addi %scan3A_62, %scan3A_63 : i32
    %scan3A_65 = arith.constant 1 : i32
    scf.for %scan3A_270 = %scan3A_62 to %scan3A_64 step %scan3A_65  : i32 {
      %mul3A_271 = arith.constant 4 : i32
      %mul3A_272 = arith.muli %scan3A_270, %mul3A_271 : i32
      %add3A_273 = arith.constant 0 : i32
      %add3A_274 = arith.addi %mul3A_272, %add3A_273 : i32
      %dma_wait3A_275 = arith.constant 0 : i32
      %dma_wait3A_276 = arith.constant 0 : i32
      %dma_wait3A_277 = arith.constant 0 : i32
      %dma_wait3A_278 = arith.constant 0 : i32
      %dma_wait3A_279 = tpu.memref_slice %arg6[%dma_wait3A_275, %dma_wait3A_277, %dma_wait3A_278] : memref<4x128x128xf32, #tpu.memory_space<vmem>> -> memref<1x128x128xf32, #tpu.memory_space<vmem>>
      %dma_wait3A_280 = tpu.memref_squeeze %dma_wait3A_279 : memref<1x128x128xf32, #tpu.memory_space<vmem>> -> memref<128x128xf32, #tpu.memory_space<vmem>>
      %dma_wait3A_281 = arith.constant 0 : i32
      %dma_wait3A_282 = tpu.memref_slice %arg5[%add3A_274, %dma_wait3A_281] : memref<200x128xi32, #tpu.memory_space<vmem>> -> memref<1x128xi32, #tpu.memory_space<vmem>>
      %dma_wait3A_283 = tpu.memref_squeeze %dma_wait3A_282 : memref<1x128xi32, #tpu.memory_space<vmem>> -> memref<128xi32, #tpu.memory_space<vmem>>
      %dma_wait3A_284 = arith.constant 0 : i32
      %dma_wait3A_285 = arith.constant 0 : i32
      %dma_wait3A_286 = tpu.memref_slice %arg3[%dma_wait3A_284, %dma_wait3A_285] : memref<100000x128xf32, #tpu.memory_space<hbm>> -> memref<100000x128xf32, #tpu.memory_space<hbm>>
      %dma_wait3A_287 = tpu.memref_slice %arg7[%dma_wait3A_276] : memref<4x!tpu.dma_semaphore, #tpu.memory_space<semaphore_mem>> -> memref<1x!tpu.dma_semaphore, #tpu.memory_space<semaphore_mem>>
      %dma_wait3A_288 = tpu.memref_squeeze %dma_wait3A_287 : memref<1x!tpu.dma_semaphore, #tpu.memory_space<semaphore_mem>> -> memref<!tpu.dma_semaphore, #tpu.memory_space<semaphore_mem>>
      tpu.wait_indirect_dma semaphore(%dma_wait3A_288 : memref<!tpu.dma_semaphore, #tpu.memory_space<semaphore_mem>>) src(%dma_wait3A_286 : memref<100000x128xf32, #tpu.memory_space<hbm>>) dst(%dma_wait3A_280 : memref<128x128xf32, #tpu.memory_space<vmem>>)
      %mul3A_289 = arith.constant 128 : i32
      %mul3A_290 = arith.muli %add3A_274, %mul3A_289 : i32
      %add3A_291 = arith.addi %mul3A_2, %mul3A_290 : i32
      %dma_start3A_292 = arith.constant 0 : i32
      %dma_start3A_293 = arith.constant 0 : i32
      %dma_start3A_294 = arith.constant 0 : i32
      %dma_start3A_295 = arith.constant 0 : i32
      %dma_start3A_296 = tpu.memref_slice %arg6[%dma_start3A_292, %dma_start3A_294, %dma_start3A_295] : memref<4x128x128xf32, #tpu.memory_space<vmem>> -> memref<1x128x128xf32, #tpu.memory_space<vmem>>
      %dma_start3A_297 = tpu.memref_squeeze %dma_start3A_296 : memref<1x128x128xf32, #tpu.memory_space<vmem>> -> memref<128x128xf32, #tpu.memory_space<vmem>>
      %dma_start3A_298 = arith.constant 0 : i32
      %dma_start3A_299 = tpu.memref_slice %arg4[%add3A_291, %dma_start3A_298] : memref<819200x128xf32, #tpu.memory_space<hbm>> -> memref<128x128xf32, #tpu.memory_space<hbm>>
      %dma_start3A_300 = tpu.memref_slice %arg8[%dma_start3A_293] : memref<4x!tpu.dma_semaphore, #tpu.memory_space<semaphore_mem>> -> memref<1x!tpu.dma_semaphore, #tpu.memory_space<semaphore_mem>>
      %dma_start3A_301 = tpu.memref_squeeze %dma_start3A_300 : memref<1x!tpu.dma_semaphore, #tpu.memory_space<semaphore_mem>> -> memref<!tpu.dma_semaphore, #tpu.memory_space<semaphore_mem>>
      %dma_start3A_302 = arith.constant 0 : i32
      %dma_start3A_303 = tpu.memref_slice %arg4[%add3A_291, %dma_start3A_302] : memref<819200x128xf32, #tpu.memory_space<hbm>> -> memref<128x128xf32, #tpu.memory_space<hbm>>
      %dma_start3A_304 = arith.constant 0 : i32
      %dma_start3A_305 = arith.constant 0 : i32
      %dma_start3A_306 = tpu.memref_slice %arg6[%dma_start3A_292, %dma_start3A_304, %dma_start3A_305] : memref<4x128x128xf32, #tpu.memory_space<vmem>> -> memref<1x128x128xf32, #tpu.memory_space<vmem>>
      %dma_start3A_307 = tpu.memref_squeeze %dma_start3A_306 : memref<1x128x128xf32, #tpu.memory_space<vmem>> -> memref<128x128xf32, #tpu.memory_space<vmem>>
      tpu.enqueue_dma source(%dma_start3A_307 : memref<128x128xf32, #tpu.memory_space<vmem>>) target(%dma_start3A_303 : memref<128x128xf32, #tpu.memory_space<hbm>>) target_semaphore(%dma_start3A_301 : memref<!tpu.dma_semaphore, #tpu.memory_space<semaphore_mem>>)
      %mul3A_308 = arith.constant 128 : i32
      %mul3A_309 = arith.muli %add3A_274, %mul3A_308 : i32
      %add3A_310 = arith.addi %mul3A_2, %mul3A_309 : i32
      %dma_wait3A_311 = arith.constant 0 : i32
      %dma_wait3A_312 = arith.constant 0 : i32
      %dma_wait3A_313 = arith.constant 0 : i32
      %dma_wait3A_314 = arith.constant 0 : i32
      %dma_wait3A_315 = tpu.memref_slice %arg6[%dma_wait3A_311, %dma_wait3A_313, %dma_wait3A_314] : memref<4x128x128xf32, #tpu.memory_space<vmem>> -> memref<1x128x128xf32, #tpu.memory_space<vmem>>
      %dma_wait3A_316 = tpu.memref_squeeze %dma_wait3A_315 : memref<1x128x128xf32, #tpu.memory_space<vmem>> -> memref<128x128xf32, #tpu.memory_space<vmem>>
      %dma_wait3A_317 = arith.constant 0 : i32
      %dma_wait3A_318 = tpu.memref_slice %arg4[%add3A_310, %dma_wait3A_317] : memref<819200x128xf32, #tpu.memory_space<hbm>> -> memref<128x128xf32, #tpu.memory_space<hbm>>
      %dma_wait3A_319 = tpu.memref_slice %arg8[%dma_wait3A_312] : memref<4x!tpu.dma_semaphore, #tpu.memory_space<semaphore_mem>> -> memref<1x!tpu.dma_semaphore, #tpu.memory_space<semaphore_mem>>
      %dma_wait3A_320 = tpu.memref_squeeze %dma_wait3A_319 : memref<1x!tpu.dma_semaphore, #tpu.memory_space<semaphore_mem>> -> memref<!tpu.dma_semaphore, #tpu.memory_space<semaphore_mem>>
      %dma_wait3A_321 = arith.constant 0 : i32
      %dma_wait3A_322 = tpu.memref_slice %arg4[%add3A_310, %dma_wait3A_321] : memref<819200x128xf32, #tpu.memory_space<hbm>> -> memref<128x128xf32, #tpu.memory_space<hbm>>
      %dma_wait3A_323 = arith.constant 0 : i32
      %dma_wait3A_324 = arith.constant 0 : i32
      %dma_wait3A_325 = tpu.memref_slice %arg6[%dma_wait3A_311, %dma_wait3A_323, %dma_wait3A_324] : memref<4x128x128xf32, #tpu.memory_space<vmem>> -> memref<1x128x128xf32, #tpu.memory_space<vmem>>
      %dma_wait3A_326 = tpu.memref_squeeze %dma_wait3A_325 : memref<1x128x128xf32, #tpu.memory_space<vmem>> -> memref<128x128xf32, #tpu.memory_space<vmem>>
      tpu.wait_dma2 semaphore(%dma_wait3A_320 : memref<!tpu.dma_semaphore, #tpu.memory_space<semaphore_mem>>) src(%dma_wait3A_326 : memref<128x128xf32, #tpu.memory_space<vmem>>) dst(%dma_wait3A_322 : memref<128x128xf32, #tpu.memory_space<hbm>>)
      %add3A_327 = arith.constant 4 : i32
      %add3A_328 = arith.addi %add3A_274, %add3A_327 : i32
      %dma_start3A_329 = arith.constant 0 : i32
      %dma_start3A_330 = arith.constant 0 : i32
      %dma_start3A_331 = arith.constant 0 : i32
      %dma_start3A_332 = arith.constant 0 : i32
      %dma_start3A_333 = tpu.memref_slice %arg6[%dma_start3A_329, %dma_start3A_331, %dma_start3A_332] : memref<4x128x128xf32, #tpu.memory_space<vmem>> -> memref<1x128x128xf32, #tpu.memory_space<vmem>>
      %dma_start3A_334 = tpu.memref_squeeze %dma_start3A_333 : memref<1x128x128xf32, #tpu.memory_space<vmem>> -> memref<128x128xf32, #tpu.memory_space<vmem>>
      %dma_start3A_335 = arith.constant 0 : i32
      %dma_start3A_336 = tpu.memref_slice %arg5[%add3A_328, %dma_start3A_335] : memref<200x128xi32, #tpu.memory_space<vmem>> -> memref<1x128xi32, #tpu.memory_space<vmem>>
      %dma_start3A_337 = tpu.memref_squeeze %dma_start3A_336 : memref<1x128xi32, #tpu.memory_space<vmem>> -> memref<128xi32, #tpu.memory_space<vmem>>
      %dma_start3A_338 = arith.constant 0 : i32
      %dma_start3A_339 = arith.constant 0 : i32
      %dma_start3A_340 = tpu.memref_slice %arg3[%dma_start3A_338, %dma_start3A_339] : memref<100000x128xf32, #tpu.memory_space<hbm>> -> memref<100000x128xf32, #tpu.memory_space<hbm>>
      %dma_start3A_341 = tpu.memref_slice %arg7[%dma_start3A_330] : memref<4x!tpu.dma_semaphore, #tpu.memory_space<semaphore_mem>> -> memref<1x!tpu.dma_semaphore, #tpu.memory_space<semaphore_mem>>
      %dma_start3A_342 = tpu.memref_squeeze %dma_start3A_341 : memref<1x!tpu.dma_semaphore, #tpu.memory_space<semaphore_mem>> -> memref<!tpu.dma_semaphore, #tpu.memory_space<semaphore_mem>>
      tpu.enqueue_indirect_dma source(%dma_start3A_340 : memref<100000x128xf32, #tpu.memory_space<hbm>>) target(%dma_start3A_334 : memref<128x128xf32, #tpu.memory_space<vmem>>) offsets(%dma_start3A_337 : memref<128xi32, #tpu.memory_space<vmem>>) semaphore(%dma_start3A_342 : memref<!tpu.dma_semaphore, #tpu.memory_space<semaphore_mem>>)
      %add3A_343 = arith.constant 1 : i32
      %add3A_344 = arith.addi %mul3A_272, %add3A_343 : i32
      %dma_wait3A_345 = arith.constant 1 : i32
      %dma_wait3A_346 = arith.constant 1 : i32
      %dma_wait3A_347 = arith.constant 0 : i32
      %dma_wait3A_348 = arith.constant 0 : i32
      %dma_wait3A_349 = tpu.memref_slice %arg6[%dma_wait3A_345, %dma_wait3A_347, %dma_wait3A_348] : memref<4x128x128xf32, #tpu.memory_space<vmem>> -> memref<1x128x128xf32, #tpu.memory_space<vmem>>
      %dma_wait3A_350 = tpu.memref_squeeze %dma_wait3A_349 : memref<1x128x128xf32, #tpu.memory_space<vmem>> -> memref<128x128xf32, #tpu.memory_space<vmem>>
      %dma_wait3A_351 = arith.constant 0 : i32
      %dma_wait3A_352 = tpu.memref_slice %arg5[%add3A_344, %dma_wait3A_351] : memref<200x128xi32, #tpu.memory_space<vmem>> -> memref<1x128xi32, #tpu.memory_space<vmem>>
      %dma_wait3A_353 = tpu.memref_squeeze %dma_wait3A_352 : memref<1x128xi32, #tpu.memory_space<vmem>> -> memref<128xi32, #tpu.memory_space<vmem>>
      %dma_wait3A_354 = arith.constant 0 : i32
      %dma_wait3A_355 = arith.constant 0 : i32
      %dma_wait3A_356 = tpu.memref_slice %arg3[%dma_wait3A_354, %dma_wait3A_355] : memref<100000x128xf32, #tpu.memory_space<hbm>> -> memref<100000x128xf32, #tpu.memory_space<hbm>>
      %dma_wait3A_357 = tpu.memref_slice %arg7[%dma_wait3A_346] : memref<4x!tpu.dma_semaphore, #tpu.memory_space<semaphore_mem>> -> memref<1x!tpu.dma_semaphore, #tpu.memory_space<semaphore_mem>>
      %dma_wait3A_358 = tpu.memref_squeeze %dma_wait3A_357 : memref<1x!tpu.dma_semaphore, #tpu.memory_space<semaphore_mem>> -> memref<!tpu.dma_semaphore, #tpu.memory_space<semaphore_mem>>
      tpu.wait_indirect_dma semaphore(%dma_wait3A_358 : memref<!tpu.dma_semaphore, #tpu.memory_space<semaphore_mem>>) src(%dma_wait3A_356 : memref<100000x128xf32, #tpu.memory_space<hbm>>) dst(%dma_wait3A_350 : memref<128x128xf32, #tpu.memory_space<vmem>>)
      %mul3A_359 = arith.constant 128 : i32
      %mul3A_360 = arith.muli %add3A_344, %mul3A_359 : i32
      %add3A_361 = arith.addi %mul3A_2, %mul3A_360 : i32
      %dma_start3A_362 = arith.constant 1 : i32
      %dma_start3A_363 = arith.constant 1 : i32
      %dma_start3A_364 = arith.constant 0 : i32
      %dma_start3A_365 = arith.constant 0 : i32
      %dma_start3A_366 = tpu.memref_slice %arg6[%dma_start3A_362, %dma_start3A_364, %dma_start3A_365] : memref<4x128x128xf32, #tpu.memory_space<vmem>> -> memref<1x128x128xf32, #tpu.memory_space<vmem>>
      %dma_start3A_367 = tpu.memref_squeeze %dma_start3A_366 : memref<1x128x128xf32, #tpu.memory_space<vmem>> -> memref<128x128xf32, #tpu.memory_space<vmem>>
      %dma_start3A_368 = arith.constant 0 : i32
      %dma_start3A_369 = tpu.memref_slice %arg4[%add3A_361, %dma_start3A_368] : memref<819200x128xf32, #tpu.memory_space<hbm>> -> memref<128x128xf32, #tpu.memory_space<hbm>>
      %dma_start3A_370 = tpu.memref_slice %arg8[%dma_start3A_363] : memref<4x!tpu.dma_semaphore, #tpu.memory_space<semaphore_mem>> -> memref<1x!tpu.dma_semaphore, #tpu.memory_space<semaphore_mem>>
      %dma_start3A_371 = tpu.memref_squeeze %dma_start3A_370 : memref<1x!tpu.dma_semaphore, #tpu.memory_space<semaphore_mem>> -> memref<!tpu.dma_semaphore, #tpu.memory_space<semaphore_mem>>
      %dma_start3A_372 = arith.constant 0 : i32
      %dma_start3A_373 = tpu.memref_slice %arg4[%add3A_361, %dma_start3A_372] : memref<819200x128xf32, #tpu.memory_space<hbm>> -> memref<128x128xf32, #tpu.memory_space<hbm>>
      %dma_start3A_374 = arith.constant 0 : i32
      %dma_start3A_375 = arith.constant 0 : i32
      %dma_start3A_376 = tpu.memref_slice %arg6[%dma_start3A_362, %dma_start3A_374, %dma_start3A_375] : memref<4x128x128xf32, #tpu.memory_space<vmem>> -> memref<1x128x128xf32, #tpu.memory_space<vmem>>
      %dma_start3A_377 = tpu.memref_squeeze %dma_start3A_376 : memref<1x128x128xf32, #tpu.memory_space<vmem>> -> memref<128x128xf32, #tpu.memory_space<vmem>>
      tpu.enqueue_dma source(%dma_start3A_377 : memref<128x128xf32, #tpu.memory_space<vmem>>) target(%dma_start3A_373 : memref<128x128xf32, #tpu.memory_space<hbm>>) target_semaphore(%dma_start3A_371 : memref<!tpu.dma_semaphore, #tpu.memory_space<semaphore_mem>>)
      %mul3A_378 = arith.constant 128 : i32
      %mul3A_379 = arith.muli %add3A_344, %mul3A_378 : i32
      %add3A_380 = arith.addi %mul3A_2, %mul3A_379 : i32
      %dma_wait3A_381 = arith.constant 1 : i32
      %dma_wait3A_382 = arith.constant 1 : i32
      %dma_wait3A_383 = arith.constant 0 : i32
      %dma_wait3A_384 = arith.constant 0 : i32
      %dma_wait3A_385 = tpu.memref_slice %arg6[%dma_wait3A_381, %dma_wait3A_383, %dma_wait3A_384] : memref<4x128x128xf32, #tpu.memory_space<vmem>> -> memref<1x128x128xf32, #tpu.memory_space<vmem>>
      %dma_wait3A_386 = tpu.memref_squeeze %dma_wait3A_385 : memref<1x128x128xf32, #tpu.memory_space<vmem>> -> memref<128x128xf32, #tpu.memory_space<vmem>>
      %dma_wait3A_387 = arith.constant 0 : i32
      %dma_wait3A_388 = tpu.memref_slice %arg4[%add3A_380, %dma_wait3A_387] : memref<819200x128xf32, #tpu.memory_space<hbm>> -> memref<128x128xf32, #tpu.memory_space<hbm>>
      %dma_wait3A_389 = tpu.memref_slice %arg8[%dma_wait3A_382] : memref<4x!tpu.dma_semaphore, #tpu.memory_space<semaphore_mem>> -> memref<1x!tpu.dma_semaphore, #tpu.memory_space<semaphore_mem>>
      %dma_wait3A_390 = tpu.memref_squeeze %dma_wait3A_389 : memref<1x!tpu.dma_semaphore, #tpu.memory_space<semaphore_mem>> -> memref<!tpu.dma_semaphore, #tpu.memory_space<semaphore_mem>>
      %dma_wait3A_391 = arith.constant 0 : i32
      %dma_wait3A_392 = tpu.memref_slice %arg4[%add3A_380, %dma_wait3A_391] : memref<819200x128xf32, #tpu.memory_space<hbm>> -> memref<128x128xf32, #tpu.memory_space<hbm>>
      %dma_wait3A_393 = arith.constant 0 : i32
      %dma_wait3A_394 = arith.constant 0 : i32
      %dma_wait3A_395 = tpu.memref_slice %arg6[%dma_wait3A_381, %dma_wait3A_393, %dma_wait3A_394] : memref<4x128x128xf32, #tpu.memory_space<vmem>> -> memref<1x128x128xf32, #tpu.memory_space<vmem>>
      %dma_wait3A_396 = tpu.memref_squeeze %dma_wait3A_395 : memref<1x128x128xf32, #tpu.memory_space<vmem>> -> memref<128x128xf32, #tpu.memory_space<vmem>>
      tpu.wait_dma2 semaphore(%dma_wait3A_390 : memref<!tpu.dma_semaphore, #tpu.memory_space<semaphore_mem>>) src(%dma_wait3A_396 : memref<128x128xf32, #tpu.memory_space<vmem>>) dst(%dma_wait3A_392 : memref<128x128xf32, #tpu.memory_space<hbm>>)
      %add3A_397 = arith.constant 4 : i32
      %add3A_398 = arith.addi %add3A_344, %add3A_397 : i32
      %dma_start3A_399 = arith.constant 1 : i32
      %dma_start3A_400 = arith.constant 1 : i32
      %dma_start3A_401 = arith.constant 0 : i32
      %dma_start3A_402 = arith.constant 0 : i32
      %dma_start3A_403 = tpu.memref_slice %arg6[%dma_start3A_399, %dma_start3A_401, %dma_start3A_402] : memref<4x128x128xf32, #tpu.memory_space<vmem>> -> memref<1x128x128xf32, #tpu.memory_space<vmem>>
      %dma_start3A_404 = tpu.memref_squeeze %dma_start3A_403 : memref<1x128x128xf32, #tpu.memory_space<vmem>> -> memref<128x128xf32, #tpu.memory_space<vmem>>
      %dma_start3A_405 = arith.constant 0 : i32
      %dma_start3A_406 = tpu.memref_slice %arg5[%add3A_398, %dma_start3A_405] : memref<200x128xi32, #tpu.memory_space<vmem>> -> memref<1x128xi32, #tpu.memory_space<vmem>>
      %dma_start3A_407 = tpu.memref_squeeze %dma_start3A_406 : memref<1x128xi32, #tpu.memory_space<vmem>> -> memref<128xi32, #tpu.memory_space<vmem>>
      %dma_start3A_408 = arith.constant 0 : i32
      %dma_start3A_409 = arith.constant 0 : i32
      %dma_start3A_410 = tpu.memref_slice %arg3[%dma_start3A_408, %dma_start3A_409] : memref<100000x128xf32, #tpu.memory_space<hbm>> -> memref<100000x128xf32, #tpu.memory_space<hbm>>
      %dma_start3A_411 = tpu.memref_slice %arg7[%dma_start3A_400] : memref<4x!tpu.dma_semaphore, #tpu.memory_space<semaphore_mem>> -> memref<1x!tpu.dma_semaphore, #tpu.memory_space<semaphore_mem>>
      %dma_start3A_412 = tpu.memref_squeeze %dma_start3A_411 : memref<1x!tpu.dma_semaphore, #tpu.memory_space<semaphore_mem>> -> memref<!tpu.dma_semaphore, #tpu.memory_space<semaphore_mem>>
      tpu.enqueue_indirect_dma source(%dma_start3A_410 : memref<100000x128xf32, #tpu.memory_space<hbm>>) target(%dma_start3A_404 : memref<128x128xf32, #tpu.memory_space<vmem>>) offsets(%dma_start3A_407 : memref<128xi32, #tpu.memory_space<vmem>>) semaphore(%dma_start3A_412 : memref<!tpu.dma_semaphore, #tpu.memory_space<semaphore_mem>>)
      %add3A_413 = arith.constant 2 : i32
      %add3A_414 = arith.addi %mul3A_272, %add3A_413 : i32
      %dma_wait3A_415 = arith.constant 2 : i32
      %dma_wait3A_416 = arith.constant 2 : i32
      %dma_wait3A_417 = arith.constant 0 : i32
      %dma_wait3A_418 = arith.constant 0 : i32
      %dma_wait3A_419 = tpu.memref_slice %arg6[%dma_wait3A_415, %dma_wait3A_417, %dma_wait3A_418] : memref<4x128x128xf32, #tpu.memory_space<vmem>> -> memref<1x128x128xf32, #tpu.memory_space<vmem>>
      %dma_wait3A_420 = tpu.memref_squeeze %dma_wait3A_419 : memref<1x128x128xf32, #tpu.memory_space<vmem>> -> memref<128x128xf32, #tpu.memory_space<vmem>>
      %dma_wait3A_421 = arith.constant 0 : i32
      %dma_wait3A_422 = tpu.memref_slice %arg5[%add3A_414, %dma_wait3A_421] : memref<200x128xi32, #tpu.memory_space<vmem>> -> memref<1x128xi32, #tpu.memory_space<vmem>>
      %dma_wait3A_423 = tpu.memref_squeeze %dma_wait3A_422 : memref<1x128xi32, #tpu.memory_space<vmem>> -> memref<128xi32, #tpu.memory_space<vmem>>
      %dma_wait3A_424 = arith.constant 0 : i32
      %dma_wait3A_425 = arith.constant 0 : i32
      %dma_wait3A_426 = tpu.memref_slice %arg3[%dma_wait3A_424, %dma_wait3A_425] : memref<100000x128xf32, #tpu.memory_space<hbm>> -> memref<100000x128xf32, #tpu.memory_space<hbm>>
      %dma_wait3A_427 = tpu.memref_slice %arg7[%dma_wait3A_416] : memref<4x!tpu.dma_semaphore, #tpu.memory_space<semaphore_mem>> -> memref<1x!tpu.dma_semaphore, #tpu.memory_space<semaphore_mem>>
      %dma_wait3A_428 = tpu.memref_squeeze %dma_wait3A_427 : memref<1x!tpu.dma_semaphore, #tpu.memory_space<semaphore_mem>> -> memref<!tpu.dma_semaphore, #tpu.memory_space<semaphore_mem>>
      tpu.wait_indirect_dma semaphore(%dma_wait3A_428 : memref<!tpu.dma_semaphore, #tpu.memory_space<semaphore_mem>>) src(%dma_wait3A_426 : memref<100000x128xf32, #tpu.memory_space<hbm>>) dst(%dma_wait3A_420 : memref<128x128xf32, #tpu.memory_space<vmem>>)
      %mul3A_429 = arith.constant 128 : i32
      %mul3A_430 = arith.muli %add3A_414, %mul3A_429 : i32
      %add3A_431 = arith.addi %mul3A_2, %mul3A_430 : i32
      %dma_start3A_432 = arith.constant 2 : i32
      %dma_start3A_433 = arith.constant 2 : i32
      %dma_start3A_434 = arith.constant 0 : i32
      %dma_start3A_435 = arith.constant 0 : i32
      %dma_start3A_436 = tpu.memref_slice %arg6[%dma_start3A_432, %dma_start3A_434, %dma_start3A_435] : memref<4x128x128xf32, #tpu.memory_space<vmem>> -> memref<1x128x128xf32, #tpu.memory_space<vmem>>
      %dma_start3A_437 = tpu.memref_squeeze %dma_start3A_436 : memref<1x128x128xf32, #tpu.memory_space<vmem>> -> memref<128x128xf32, #tpu.memory_space<vmem>>
      %dma_start3A_438 = arith.constant 0 : i32
      %dma_start3A_439 = tpu.memref_slice %arg4[%add3A_431, %dma_start3A_438] : memref<819200x128xf32, #tpu.memory_space<hbm>> -> memref<128x128xf32, #tpu.memory_space<hbm>>
      %dma_start3A_440 = tpu.memref_slice %arg8[%dma_start3A_433] : memref<4x!tpu.dma_semaphore, #tpu.memory_space<semaphore_mem>> -> memref<1x!tpu.dma_semaphore, #tpu.memory_space<semaphore_mem>>
      %dma_start3A_441 = tpu.memref_squeeze %dma_start3A_440 : memref<1x!tpu.dma_semaphore, #tpu.memory_space<semaphore_mem>> -> memref<!tpu.dma_semaphore, #tpu.memory_space<semaphore_mem>>
      %dma_start3A_442 = arith.constant 0 : i32
      %dma_start3A_443 = tpu.memref_slice %arg4[%add3A_431, %dma_start3A_442] : memref<819200x128xf32, #tpu.memory_space<hbm>> -> memref<128x128xf32, #tpu.memory_space<hbm>>
      %dma_start3A_444 = arith.constant 0 : i32
      %dma_start3A_445 = arith.constant 0 : i32
      %dma_start3A_446 = tpu.memref_slice %arg6[%dma_start3A_432, %dma_start3A_444, %dma_start3A_445] : memref<4x128x128xf32, #tpu.memory_space<vmem>> -> memref<1x128x128xf32, #tpu.memory_space<vmem>>
      %dma_start3A_447 = tpu.memref_squeeze %dma_start3A_446 : memref<1x128x128xf32, #tpu.memory_space<vmem>> -> memref<128x128xf32, #tpu.memory_space<vmem>>
      tpu.enqueue_dma source(%dma_start3A_447 : memref<128x128xf32, #tpu.memory_space<vmem>>) target(%dma_start3A_443 : memref<128x128xf32, #tpu.memory_space<hbm>>) target_semaphore(%dma_start3A_441 : memref<!tpu.dma_semaphore, #tpu.memory_space<semaphore_mem>>)
      %mul3A_448 = arith.constant 128 : i32
      %mul3A_449 = arith.muli %add3A_414, %mul3A_448 : i32
      %add3A_450 = arith.addi %mul3A_2, %mul3A_449 : i32
      %dma_wait3A_451 = arith.constant 2 : i32
      %dma_wait3A_452 = arith.constant 2 : i32
      %dma_wait3A_453 = arith.constant 0 : i32
      %dma_wait3A_454 = arith.constant 0 : i32
      %dma_wait3A_455 = tpu.memref_slice %arg6[%dma_wait3A_451, %dma_wait3A_453, %dma_wait3A_454] : memref<4x128x128xf32, #tpu.memory_space<vmem>> -> memref<1x128x128xf32, #tpu.memory_space<vmem>>
      %dma_wait3A_456 = tpu.memref_squeeze %dma_wait3A_455 : memref<1x128x128xf32, #tpu.memory_space<vmem>> -> memref<128x128xf32, #tpu.memory_space<vmem>>
      %dma_wait3A_457 = arith.constant 0 : i32
      %dma_wait3A_458 = tpu.memref_slice %arg4[%add3A_450, %dma_wait3A_457] : memref<819200x128xf32, #tpu.memory_space<hbm>> -> memref<128x128xf32, #tpu.memory_space<hbm>>
      %dma_wait3A_459 = tpu.memref_slice %arg8[%dma_wait3A_452] : memref<4x!tpu.dma_semaphore, #tpu.memory_space<semaphore_mem>> -> memref<1x!tpu.dma_semaphore, #tpu.memory_space<semaphore_mem>>
      %dma_wait3A_460 = tpu.memref_squeeze %dma_wait3A_459 : memref<1x!tpu.dma_semaphore, #tpu.memory_space<semaphore_mem>> -> memref<!tpu.dma_semaphore, #tpu.memory_space<semaphore_mem>>
      %dma_wait3A_461 = arith.constant 0 : i32
      %dma_wait3A_462 = tpu.memref_slice %arg4[%add3A_450, %dma_wait3A_461] : memref<819200x128xf32, #tpu.memory_space<hbm>> -> memref<128x128xf32, #tpu.memory_space<hbm>>
      %dma_wait3A_463 = arith.constant 0 : i32
      %dma_wait3A_464 = arith.constant 0 : i32
      %dma_wait3A_465 = tpu.memref_slice %arg6[%dma_wait3A_451, %dma_wait3A_463, %dma_wait3A_464] : memref<4x128x128xf32, #tpu.memory_space<vmem>> -> memref<1x128x128xf32, #tpu.memory_space<vmem>>
      %dma_wait3A_466 = tpu.memref_squeeze %dma_wait3A_465 : memref<1x128x128xf32, #tpu.memory_space<vmem>> -> memref<128x128xf32, #tpu.memory_space<vmem>>
      tpu.wait_dma2 semaphore(%dma_wait3A_460 : memref<!tpu.dma_semaphore, #tpu.memory_space<semaphore_mem>>) src(%dma_wait3A_466 : memref<128x128xf32, #tpu.memory_space<vmem>>) dst(%dma_wait3A_462 : memref<128x128xf32, #tpu.memory_space<hbm>>)
      %add3A_467 = arith.constant 4 : i32
      %add3A_468 = arith.addi %add3A_414, %add3A_467 : i32
      %dma_start3A_469 = arith.constant 2 : i32
      %dma_start3A_470 = arith.constant 2 : i32
      %dma_start3A_471 = arith.constant 0 : i32
      %dma_start3A_472 = arith.constant 0 : i32
      %dma_start3A_473 = tpu.memref_slice %arg6[%dma_start3A_469, %dma_start3A_471, %dma_start3A_472] : memref<4x128x128xf32, #tpu.memory_space<vmem>> -> memref<1x128x128xf32, #tpu.memory_space<vmem>>
      %dma_start3A_474 = tpu.memref_squeeze %dma_start3A_473 : memref<1x128x128xf32, #tpu.memory_space<vmem>> -> memref<128x128xf32, #tpu.memory_space<vmem>>
      %dma_start3A_475 = arith.constant 0 : i32
      %dma_start3A_476 = tpu.memref_slice %arg5[%add3A_468, %dma_start3A_475] : memref<200x128xi32, #tpu.memory_space<vmem>> -> memref<1x128xi32, #tpu.memory_space<vmem>>
      %dma_start3A_477 = tpu.memref_squeeze %dma_start3A_476 : memref<1x128xi32, #tpu.memory_space<vmem>> -> memref<128xi32, #tpu.memory_space<vmem>>
      %dma_start3A_478 = arith.constant 0 : i32
      %dma_start3A_479 = arith.constant 0 : i32
      %dma_start3A_480 = tpu.memref_slice %arg3[%dma_start3A_478, %dma_start3A_479] : memref<100000x128xf32, #tpu.memory_space<hbm>> -> memref<100000x128xf32, #tpu.memory_space<hbm>>
      %dma_start3A_481 = tpu.memref_slice %arg7[%dma_start3A_470] : memref<4x!tpu.dma_semaphore, #tpu.memory_space<semaphore_mem>> -> memref<1x!tpu.dma_semaphore, #tpu.memory_space<semaphore_mem>>
      %dma_start3A_482 = tpu.memref_squeeze %dma_start3A_481 : memref<1x!tpu.dma_semaphore, #tpu.memory_space<semaphore_mem>> -> memref<!tpu.dma_semaphore, #tpu.memory_space<semaphore_mem>>
      tpu.enqueue_indirect_dma source(%dma_start3A_480 : memref<100000x128xf32, #tpu.memory_space<hbm>>) target(%dma_start3A_474 : memref<128x128xf32, #tpu.memory_space<vmem>>) offsets(%dma_start3A_477 : memref<128xi32, #tpu.memory_space<vmem>>) semaphore(%dma_start3A_482 : memref<!tpu.dma_semaphore, #tpu.memory_space<semaphore_mem>>)
      %add3A_483 = arith.constant 3 : i32
      %add3A_484 = arith.addi %mul3A_272, %add3A_483 : i32
      %dma_wait3A_485 = arith.constant 3 : i32
      %dma_wait3A_486 = arith.constant 3 : i32
      %dma_wait3A_487 = arith.constant 0 : i32
      %dma_wait3A_488 = arith.constant 0 : i32
      %dma_wait3A_489 = tpu.memref_slice %arg6[%dma_wait3A_485, %dma_wait3A_487, %dma_wait3A_488] : memref<4x128x128xf32, #tpu.memory_space<vmem>> -> memref<1x128x128xf32, #tpu.memory_space<vmem>>
      %dma_wait3A_490 = tpu.memref_squeeze %dma_wait3A_489 : memref<1x128x128xf32, #tpu.memory_space<vmem>> -> memref<128x128xf32, #tpu.memory_space<vmem>>
      %dma_wait3A_491 = arith.constant 0 : i32
      %dma_wait3A_492 = tpu.memref_slice %arg5[%add3A_484, %dma_wait3A_491] : memref<200x128xi32, #tpu.memory_space<vmem>> -> memref<1x128xi32, #tpu.memory_space<vmem>>
      %dma_wait3A_493 = tpu.memref_squeeze %dma_wait3A_492 : memref<1x128xi32, #tpu.memory_space<vmem>> -> memref<128xi32, #tpu.memory_space<vmem>>
      %dma_wait3A_494 = arith.constant 0 : i32
      %dma_wait3A_495 = arith.constant 0 : i32
      %dma_wait3A_496 = tpu.memref_slice %arg3[%dma_wait3A_494, %dma_wait3A_495] : memref<100000x128xf32, #tpu.memory_space<hbm>> -> memref<100000x128xf32, #tpu.memory_space<hbm>>
      %dma_wait3A_497 = tpu.memref_slice %arg7[%dma_wait3A_486] : memref<4x!tpu.dma_semaphore, #tpu.memory_space<semaphore_mem>> -> memref<1x!tpu.dma_semaphore, #tpu.memory_space<semaphore_mem>>
      %dma_wait3A_498 = tpu.memref_squeeze %dma_wait3A_497 : memref<1x!tpu.dma_semaphore, #tpu.memory_space<semaphore_mem>> -> memref<!tpu.dma_semaphore, #tpu.memory_space<semaphore_mem>>
      tpu.wait_indirect_dma semaphore(%dma_wait3A_498 : memref<!tpu.dma_semaphore, #tpu.memory_space<semaphore_mem>>) src(%dma_wait3A_496 : memref<100000x128xf32, #tpu.memory_space<hbm>>) dst(%dma_wait3A_490 : memref<128x128xf32, #tpu.memory_space<vmem>>)
      %mul3A_499 = arith.constant 128 : i32
      %mul3A_500 = arith.muli %add3A_484, %mul3A_499 : i32
      %add3A_501 = arith.addi %mul3A_2, %mul3A_500 : i32
      %dma_start3A_502 = arith.constant 3 : i32
      %dma_start3A_503 = arith.constant 3 : i32
      %dma_start3A_504 = arith.constant 0 : i32
      %dma_start3A_505 = arith.constant 0 : i32
      %dma_start3A_506 = tpu.memref_slice %arg6[%dma_start3A_502, %dma_start3A_504, %dma_start3A_505] : memref<4x128x128xf32, #tpu.memory_space<vmem>> -> memref<1x128x128xf32, #tpu.memory_space<vmem>>
      %dma_start3A_507 = tpu.memref_squeeze %dma_start3A_506 : memref<1x128x128xf32, #tpu.memory_space<vmem>> -> memref<128x128xf32, #tpu.memory_space<vmem>>
      %dma_start3A_508 = arith.constant 0 : i32
      %dma_start3A_509 = tpu.memref_slice %arg4[%add3A_501, %dma_start3A_508] : memref<819200x128xf32, #tpu.memory_space<hbm>> -> memref<128x128xf32, #tpu.memory_space<hbm>>
      %dma_start3A_510 = tpu.memref_slice %arg8[%dma_start3A_503] : memref<4x!tpu.dma_semaphore, #tpu.memory_space<semaphore_mem>> -> memref<1x!tpu.dma_semaphore, #tpu.memory_space<semaphore_mem>>
      %dma_start3A_511 = tpu.memref_squeeze %dma_start3A_510 : memref<1x!tpu.dma_semaphore, #tpu.memory_space<semaphore_mem>> -> memref<!tpu.dma_semaphore, #tpu.memory_space<semaphore_mem>>
      %dma_start3A_512 = arith.constant 0 : i32
      %dma_start3A_513 = tpu.memref_slice %arg4[%add3A_501, %dma_start3A_512] : memref<819200x128xf32, #tpu.memory_space<hbm>> -> memref<128x128xf32, #tpu.memory_space<hbm>>
      %dma_start3A_514 = arith.constant 0 : i32
      %dma_start3A_515 = arith.constant 0 : i32
      %dma_start3A_516 = tpu.memref_slice %arg6[%dma_start3A_502, %dma_start3A_514, %dma_start3A_515] : memref<4x128x128xf32, #tpu.memory_space<vmem>> -> memref<1x128x128xf32, #tpu.memory_space<vmem>>
      %dma_start3A_517 = tpu.memref_squeeze %dma_start3A_516 : memref<1x128x128xf32, #tpu.memory_space<vmem>> -> memref<128x128xf32, #tpu.memory_space<vmem>>
      tpu.enqueue_dma source(%dma_start3A_517 : memref<128x128xf32, #tpu.memory_space<vmem>>) target(%dma_start3A_513 : memref<128x128xf32, #tpu.memory_space<hbm>>) target_semaphore(%dma_start3A_511 : memref<!tpu.dma_semaphore, #tpu.memory_space<semaphore_mem>>)
      %mul3A_518 = arith.constant 128 : i32
      %mul3A_519 = arith.muli %add3A_484, %mul3A_518 : i32
      %add3A_520 = arith.addi %mul3A_2, %mul3A_519 : i32
      %dma_wait3A_521 = arith.constant 3 : i32
      %dma_wait3A_522 = arith.constant 3 : i32
      %dma_wait3A_523 = arith.constant 0 : i32
      %dma_wait3A_524 = arith.constant 0 : i32
      %dma_wait3A_525 = tpu.memref_slice %arg6[%dma_wait3A_521, %dma_wait3A_523, %dma_wait3A_524] : memref<4x128x128xf32, #tpu.memory_space<vmem>> -> memref<1x128x128xf32, #tpu.memory_space<vmem>>
      %dma_wait3A_526 = tpu.memref_squeeze %dma_wait3A_525 : memref<1x128x128xf32, #tpu.memory_space<vmem>> -> memref<128x128xf32, #tpu.memory_space<vmem>>
      %dma_wait3A_527 = arith.constant 0 : i32
      %dma_wait3A_528 = tpu.memref_slice %arg4[%add3A_520, %dma_wait3A_527] : memref<819200x128xf32, #tpu.memory_space<hbm>> -> memref<128x128xf32, #tpu.memory_space<hbm>>
      %dma_wait3A_529 = tpu.memref_slice %arg8[%dma_wait3A_522] : memref<4x!tpu.dma_semaphore, #tpu.memory_space<semaphore_mem>> -> memref<1x!tpu.dma_semaphore, #tpu.memory_space<semaphore_mem>>
      %dma_wait3A_530 = tpu.memref_squeeze %dma_wait3A_529 : memref<1x!tpu.dma_semaphore, #tpu.memory_space<semaphore_mem>> -> memref<!tpu.dma_semaphore, #tpu.memory_space<semaphore_mem>>
      %dma_wait3A_531 = arith.constant 0 : i32
      %dma_wait3A_532 = tpu.memref_slice %arg4[%add3A_520, %dma_wait3A_531] : memref<819200x128xf32, #tpu.memory_space<hbm>> -> memref<128x128xf32, #tpu.memory_space<hbm>>
      %dma_wait3A_533 = arith.constant 0 : i32
      %dma_wait3A_534 = arith.constant 0 : i32
      %dma_wait3A_535 = tpu.memref_slice %arg6[%dma_wait3A_521, %dma_wait3A_533, %dma_wait3A_534] : memref<4x128x128xf32, #tpu.memory_space<vmem>> -> memref<1x128x128xf32, #tpu.memory_space<vmem>>
      %dma_wait3A_536 = tpu.memref_squeeze %dma_wait3A_535 : memref<1x128x128xf32, #tpu.memory_space<vmem>> -> memref<128x128xf32, #tpu.memory_space<vmem>>
      tpu.wait_dma2 semaphore(%dma_wait3A_530 : memref<!tpu.dma_semaphore, #tpu.memory_space<semaphore_mem>>) src(%dma_wait3A_536 : memref<128x128xf32, #tpu.memory_space<vmem>>) dst(%dma_wait3A_532 : memref<128x128xf32, #tpu.memory_space<hbm>>)
      %add3A_537 = arith.constant 4 : i32
      %add3A_538 = arith.addi %add3A_484, %add3A_537 : i32
      %dma_start3A_539 = arith.constant 3 : i32
      %dma_start3A_540 = arith.constant 3 : i32
      %dma_start3A_541 = arith.constant 0 : i32
      %dma_start3A_542 = arith.constant 0 : i32
      %dma_start3A_543 = tpu.memref_slice %arg6[%dma_start3A_539, %dma_start3A_541, %dma_start3A_542] : memref<4x128x128xf32, #tpu.memory_space<vmem>> -> memref<1x128x128xf32, #tpu.memory_space<vmem>>
      %dma_start3A_544 = tpu.memref_squeeze %dma_start3A_543 : memref<1x128x128xf32, #tpu.memory_space<vmem>> -> memref<128x128xf32, #tpu.memory_space<vmem>>
      %dma_start3A_545 = arith.constant 0 : i32
      %dma_start3A_546 = tpu.memref_slice %arg5[%add3A_538, %dma_start3A_545] : memref<200x128xi32, #tpu.memory_space<vmem>> -> memref<1x128xi32, #tpu.memory_space<vmem>>
      %dma_start3A_547 = tpu.memref_squeeze %dma_start3A_546 : memref<1x128xi32, #tpu.memory_space<vmem>> -> memref<128xi32, #tpu.memory_space<vmem>>
      %dma_start3A_548 = arith.constant 0 : i32
      %dma_start3A_549 = arith.constant 0 : i32
      %dma_start3A_550 = tpu.memref_slice %arg3[%dma_start3A_548, %dma_start3A_549] : memref<100000x128xf32, #tpu.memory_space<hbm>> -> memref<100000x128xf32, #tpu.memory_space<hbm>>
      %dma_start3A_551 = tpu.memref_slice %arg7[%dma_start3A_540] : memref<4x!tpu.dma_semaphore, #tpu.memory_space<semaphore_mem>> -> memref<1x!tpu.dma_semaphore, #tpu.memory_space<semaphore_mem>>
      %dma_start3A_552 = tpu.memref_squeeze %dma_start3A_551 : memref<1x!tpu.dma_semaphore, #tpu.memory_space<semaphore_mem>> -> memref<!tpu.dma_semaphore, #tpu.memory_space<semaphore_mem>>
      tpu.enqueue_indirect_dma source(%dma_start3A_550 : memref<100000x128xf32, #tpu.memory_space<hbm>>) target(%dma_start3A_544 : memref<128x128xf32, #tpu.memory_space<vmem>>) offsets(%dma_start3A_547 : memref<128xi32, #tpu.memory_space<vmem>>) semaphore(%dma_start3A_552 : memref<!tpu.dma_semaphore, #tpu.memory_space<semaphore_mem>>)
    }
    %scan3A_66 = arith.constant 49 : i32
    %dma_wait3A = arith.constant 196 : i32
    %dma_wait3A_67 = arith.constant 0 : i32
    %dma_wait3A_68 = arith.constant 0 : i32
    %dma_wait3A_69 = arith.constant 0 : i32
    %dma_wait3A_70 = arith.constant 0 : i32
    %dma_wait3A_71 = tpu.memref_slice %arg6[%dma_wait3A_67, %dma_wait3A_69, %dma_wait3A_70] : memref<4x128x128xf32, #tpu.memory_space<vmem>> -> memref<1x128x128xf32, #tpu.memory_space<vmem>>
    %dma_wait3A_72 = tpu.memref_squeeze %dma_wait3A_71 : memref<1x128x128xf32, #tpu.memory_space<vmem>> -> memref<128x128xf32, #tpu.memory_space<vmem>>
    %dma_wait3A_73 = arith.constant 0 : i32
    %dma_wait3A_74 = tpu.memref_slice %arg5[%dma_wait3A, %dma_wait3A_73] : memref<200x128xi32, #tpu.memory_space<vmem>> -> memref<1x128xi32, #tpu.memory_space<vmem>>
    %dma_wait3A_75 = tpu.memref_squeeze %dma_wait3A_74 : memref<1x128xi32, #tpu.memory_space<vmem>> -> memref<128xi32, #tpu.memory_space<vmem>>
    %dma_wait3A_76 = arith.constant 0 : i32
    %dma_wait3A_77 = arith.constant 0 : i32
    %dma_wait3A_78 = tpu.memref_slice %arg3[%dma_wait3A_76, %dma_wait3A_77] : memref<100000x128xf32, #tpu.memory_space<hbm>> -> memref<100000x128xf32, #tpu.memory_space<hbm>>
    %dma_wait3A_79 = tpu.memref_slice %arg7[%dma_wait3A_68] : memref<4x!tpu.dma_semaphore, #tpu.memory_space<semaphore_mem>> -> memref<1x!tpu.dma_semaphore, #tpu.memory_space<semaphore_mem>>
    %dma_wait3A_80 = tpu.memref_squeeze %dma_wait3A_79 : memref<1x!tpu.dma_semaphore, #tpu.memory_space<semaphore_mem>> -> memref<!tpu.dma_semaphore, #tpu.memory_space<semaphore_mem>>
    tpu.wait_indirect_dma semaphore(%dma_wait3A_80 : memref<!tpu.dma_semaphore, #tpu.memory_space<semaphore_mem>>) src(%dma_wait3A_78 : memref<100000x128xf32, #tpu.memory_space<hbm>>) dst(%dma_wait3A_72 : memref<128x128xf32, #tpu.memory_space<vmem>>)
    %add3A_81 = arith.constant 25088 : i32
    %add3A_82 = arith.addi %mul3A_2, %add3A_81 : i32
    %dma_start3A_83 = arith.constant 0 : i32
    %dma_start3A_84 = arith.constant 0 : i32
    %dma_start3A_85 = arith.constant 0 : i32
    %dma_start3A_86 = arith.constant 0 : i32
    %dma_start3A_87 = tpu.memref_slice %arg6[%dma_start3A_83, %dma_start3A_85, %dma_start3A_86] : memref<4x128x128xf32, #tpu.memory_space<vmem>> -> memref<1x128x128xf32, #tpu.memory_space<vmem>>
    %dma_start3A_88 = tpu.memref_squeeze %dma_start3A_87 : memref<1x128x128xf32, #tpu.memory_space<vmem>> -> memref<128x128xf32, #tpu.memory_space<vmem>>
    %dma_start3A_89 = arith.constant 0 : i32
    %dma_start3A_90 = tpu.memref_slice %arg4[%add3A_82, %dma_start3A_89] : memref<819200x128xf32, #tpu.memory_space<hbm>> -> memref<128x128xf32, #tpu.memory_space<hbm>>
    %dma_start3A_91 = tpu.memref_slice %arg8[%dma_start3A_84] : memref<4x!tpu.dma_semaphore, #tpu.memory_space<semaphore_mem>> -> memref<1x!tpu.dma_semaphore, #tpu.memory_space<semaphore_mem>>
    %dma_start3A_92 = tpu.memref_squeeze %dma_start3A_91 : memref<1x!tpu.dma_semaphore, #tpu.memory_space<semaphore_mem>> -> memref<!tpu.dma_semaphore, #tpu.memory_space<semaphore_mem>>
    %dma_start3A_93 = arith.constant 0 : i32
    %dma_start3A_94 = tpu.memref_slice %arg4[%add3A_82, %dma_start3A_93] : memref<819200x128xf32, #tpu.memory_space<hbm>> -> memref<128x128xf32, #tpu.memory_space<hbm>>
    %dma_start3A_95 = arith.constant 0 : i32
    %dma_start3A_96 = arith.constant 0 : i32
    %dma_start3A_97 = tpu.memref_slice %arg6[%dma_start3A_83, %dma_start3A_95, %dma_start3A_96] : memref<4x128x128xf32, #tpu.memory_space<vmem>> -> memref<1x128x128xf32, #tpu.memory_space<vmem>>
    %dma_start3A_98 = tpu.memref_squeeze %dma_start3A_97 : memref<1x128x128xf32, #tpu.memory_space<vmem>> -> memref<128x128xf32, #tpu.memory_space<vmem>>
    tpu.enqueue_dma source(%dma_start3A_98 : memref<128x128xf32, #tpu.memory_space<vmem>>) target(%dma_start3A_94 : memref<128x128xf32, #tpu.memory_space<hbm>>) target_semaphore(%dma_start3A_92 : memref<!tpu.dma_semaphore, #tpu.memory_space<semaphore_mem>>)
    %dma_wait3A_99 = arith.constant 197 : i32
    %dma_wait3A_100 = arith.constant 1 : i32
    %dma_wait3A_101 = arith.constant 1 : i32
    %dma_wait3A_102 = arith.constant 0 : i32
    %dma_wait3A_103 = arith.constant 0 : i32
    %dma_wait3A_104 = tpu.memref_slice %arg6[%dma_wait3A_100, %dma_wait3A_102, %dma_wait3A_103] : memref<4x128x128xf32, #tpu.memory_space<vmem>> -> memref<1x128x128xf32, #tpu.memory_space<vmem>>
    %dma_wait3A_105 = tpu.memref_squeeze %dma_wait3A_104 : memref<1x128x128xf32, #tpu.memory_space<vmem>> -> memref<128x128xf32, #tpu.memory_space<vmem>>
    %dma_wait3A_106 = arith.constant 0 : i32
    %dma_wait3A_107 = tpu.memref_slice %arg5[%dma_wait3A_99, %dma_wait3A_106] : memref<200x128xi32, #tpu.memory_space<vmem>> -> memref<1x128xi32, #tpu.memory_space<vmem>>
    %dma_wait3A_108 = tpu.memref_squeeze %dma_wait3A_107 : memref<1x128xi32, #tpu.memory_space<vmem>> -> memref<128xi32, #tpu.memory_space<vmem>>
    %dma_wait3A_109 = arith.constant 0 : i32
    %dma_wait3A_110 = arith.constant 0 : i32
    %dma_wait3A_111 = tpu.memref_slice %arg3[%dma_wait3A_109, %dma_wait3A_110] : memref<100000x128xf32, #tpu.memory_space<hbm>> -> memref<100000x128xf32, #tpu.memory_space<hbm>>
    %dma_wait3A_112 = tpu.memref_slice %arg7[%dma_wait3A_101] : memref<4x!tpu.dma_semaphore, #tpu.memory_space<semaphore_mem>> -> memref<1x!tpu.dma_semaphore, #tpu.memory_space<semaphore_mem>>
    %dma_wait3A_113 = tpu.memref_squeeze %dma_wait3A_112 : memref<1x!tpu.dma_semaphore, #tpu.memory_space<semaphore_mem>> -> memref<!tpu.dma_semaphore, #tpu.memory_space<semaphore_mem>>
    tpu.wait_indirect_dma semaphore(%dma_wait3A_113 : memref<!tpu.dma_semaphore, #tpu.memory_space<semaphore_mem>>) src(%dma_wait3A_111 : memref<100000x128xf32, #tpu.memory_space<hbm>>) dst(%dma_wait3A_105 : memref<128x128xf32, #tpu.memory_space<vmem>>)
    %add3A_114 = arith.constant 25216 : i32
    %add3A_115 = arith.addi %mul3A_2, %add3A_114 : i32
    %dma_start3A_116 = arith.constant 1 : i32
    %dma_start3A_117 = arith.constant 1 : i32
    %dma_start3A_118 = arith.constant 0 : i32
    %dma_start3A_119 = arith.constant 0 : i32
    %dma_start3A_120 = tpu.memref_slice %arg6[%dma_start3A_116, %dma_start3A_118, %dma_start3A_119] : memref<4x128x128xf32, #tpu.memory_space<vmem>> -> memref<1x128x128xf32, #tpu.memory_space<vmem>>
    %dma_start3A_121 = tpu.memref_squeeze %dma_start3A_120 : memref<1x128x128xf32, #tpu.memory_space<vmem>> -> memref<128x128xf32, #tpu.memory_space<vmem>>
    %dma_start3A_122 = arith.constant 0 : i32
    %dma_start3A_123 = tpu.memref_slice %arg4[%add3A_115, %dma_start3A_122] : memref<819200x128xf32, #tpu.memory_space<hbm>> -> memref<128x128xf32, #tpu.memory_space<hbm>>
    %dma_start3A_124 = tpu.memref_slice %arg8[%dma_start3A_117] : memref<4x!tpu.dma_semaphore, #tpu.memory_space<semaphore_mem>> -> memref<1x!tpu.dma_semaphore, #tpu.memory_space<semaphore_mem>>
    %dma_start3A_125 = tpu.memref_squeeze %dma_start3A_124 : memref<1x!tpu.dma_semaphore, #tpu.memory_space<semaphore_mem>> -> memref<!tpu.dma_semaphore, #tpu.memory_space<semaphore_mem>>
    %dma_start3A_126 = arith.constant 0 : i32
    %dma_start3A_127 = tpu.memref_slice %arg4[%add3A_115, %dma_start3A_126] : memref<819200x128xf32, #tpu.memory_space<hbm>> -> memref<128x128xf32, #tpu.memory_space<hbm>>
    %dma_start3A_128 = arith.constant 0 : i32
    %dma_start3A_129 = arith.constant 0 : i32
    %dma_start3A_130 = tpu.memref_slice %arg6[%dma_start3A_116, %dma_start3A_128, %dma_start3A_129] : memref<4x128x128xf32, #tpu.memory_space<vmem>> -> memref<1x128x128xf32, #tpu.memory_space<vmem>>
    %dma_start3A_131 = tpu.memref_squeeze %dma_start3A_130 : memref<1x128x128xf32, #tpu.memory_space<vmem>> -> memref<128x128xf32, #tpu.memory_space<vmem>>
    tpu.enqueue_dma source(%dma_start3A_131 : memref<128x128xf32, #tpu.memory_space<vmem>>) target(%dma_start3A_127 : memref<128x128xf32, #tpu.memory_space<hbm>>) target_semaphore(%dma_start3A_125 : memref<!tpu.dma_semaphore, #tpu.memory_space<semaphore_mem>>)
    %dma_wait3A_132 = arith.constant 198 : i32
    %dma_wait3A_133 = arith.constant 2 : i32
    %dma_wait3A_134 = arith.constant 2 : i32
    %dma_wait3A_135 = arith.constant 0 : i32
    %dma_wait3A_136 = arith.constant 0 : i32
    %dma_wait3A_137 = tpu.memref_slice %arg6[%dma_wait3A_133, %dma_wait3A_135, %dma_wait3A_136] : memref<4x128x128xf32, #tpu.memory_space<vmem>> -> memref<1x128x128xf32, #tpu.memory_space<vmem>>
    %dma_wait3A_138 = tpu.memref_squeeze %dma_wait3A_137 : memref<1x128x128xf32, #tpu.memory_space<vmem>> -> memref<128x128xf32, #tpu.memory_space<vmem>>
    %dma_wait3A_139 = arith.constant 0 : i32
    %dma_wait3A_140 = tpu.memref_slice %arg5[%dma_wait3A_132, %dma_wait3A_139] : memref<200x128xi32, #tpu.memory_space<vmem>> -> memref<1x128xi32, #tpu.memory_space<vmem>>
    %dma_wait3A_141 = tpu.memref_squeeze %dma_wait3A_140 : memref<1x128xi32, #tpu.memory_space<vmem>> -> memref<128xi32, #tpu.memory_space<vmem>>
    %dma_wait3A_142 = arith.constant 0 : i32
    %dma_wait3A_143 = arith.constant 0 : i32
    %dma_wait3A_144 = tpu.memref_slice %arg3[%dma_wait3A_142, %dma_wait3A_143] : memref<100000x128xf32, #tpu.memory_space<hbm>> -> memref<100000x128xf32, #tpu.memory_space<hbm>>
    %dma_wait3A_145 = tpu.memref_slice %arg7[%dma_wait3A_134] : memref<4x!tpu.dma_semaphore, #tpu.memory_space<semaphore_mem>> -> memref<1x!tpu.dma_semaphore, #tpu.memory_space<semaphore_mem>>
    %dma_wait3A_146 = tpu.memref_squeeze %dma_wait3A_145 : memref<1x!tpu.dma_semaphore, #tpu.memory_space<semaphore_mem>> -> memref<!tpu.dma_semaphore, #tpu.memory_space<semaphore_mem>>
    tpu.wait_indirect_dma semaphore(%dma_wait3A_146 : memref<!tpu.dma_semaphore, #tpu.memory_space<semaphore_mem>>) src(%dma_wait3A_144 : memref<100000x128xf32, #tpu.memory_space<hbm>>) dst(%dma_wait3A_138 : memref<128x128xf32, #tpu.memory_space<vmem>>)
    %add3A_147 = arith.constant 25344 : i32
    %add3A_148 = arith.addi %mul3A_2, %add3A_147 : i32
    %dma_start3A_149 = arith.constant 2 : i32
    %dma_start3A_150 = arith.constant 2 : i32
    %dma_start3A_151 = arith.constant 0 : i32
    %dma_start3A_152 = arith.constant 0 : i32
    %dma_start3A_153 = tpu.memref_slice %arg6[%dma_start3A_149, %dma_start3A_151, %dma_start3A_152] : memref<4x128x128xf32, #tpu.memory_space<vmem>> -> memref<1x128x128xf32, #tpu.memory_space<vmem>>
    %dma_start3A_154 = tpu.memref_squeeze %dma_start3A_153 : memref<1x128x128xf32, #tpu.memory_space<vmem>> -> memref<128x128xf32, #tpu.memory_space<vmem>>
    %dma_start3A_155 = arith.constant 0 : i32
    %dma_start3A_156 = tpu.memref_slice %arg4[%add3A_148, %dma_start3A_155] : memref<819200x128xf32, #tpu.memory_space<hbm>> -> memref<128x128xf32, #tpu.memory_space<hbm>>
    %dma_start3A_157 = tpu.memref_slice %arg8[%dma_start3A_150] : memref<4x!tpu.dma_semaphore, #tpu.memory_space<semaphore_mem>> -> memref<1x!tpu.dma_semaphore, #tpu.memory_space<semaphore_mem>>
    %dma_start3A_158 = tpu.memref_squeeze %dma_start3A_157 : memref<1x!tpu.dma_semaphore, #tpu.memory_space<semaphore_mem>> -> memref<!tpu.dma_semaphore, #tpu.memory_space<semaphore_mem>>
    %dma_start3A_159 = arith.constant 0 : i32
    %dma_start3A_160 = tpu.memref_slice %arg4[%add3A_148, %dma_start3A_159] : memref<819200x128xf32, #tpu.memory_space<hbm>> -> memref<128x128xf32, #tpu.memory_space<hbm>>
    %dma_start3A_161 = arith.constant 0 : i32
    %dma_start3A_162 = arith.constant 0 : i32
    %dma_start3A_163 = tpu.memref_slice %arg6[%dma_start3A_149, %dma_start3A_161, %dma_start3A_162] : memref<4x128x128xf32, #tpu.memory_space<vmem>> -> memref<1x128x128xf32, #tpu.memory_space<vmem>>
    %dma_start3A_164 = tpu.memref_squeeze %dma_start3A_163 : memref<1x128x128xf32, #tpu.memory_space<vmem>> -> memref<128x128xf32, #tpu.memory_space<vmem>>
    tpu.enqueue_dma source(%dma_start3A_164 : memref<128x128xf32, #tpu.memory_space<vmem>>) target(%dma_start3A_160 : memref<128x128xf32, #tpu.memory_space<hbm>>) target_semaphore(%dma_start3A_158 : memref<!tpu.dma_semaphore, #tpu.memory_space<semaphore_mem>>)
    %dma_wait3A_165 = arith.constant 199 : i32
    %dma_wait3A_166 = arith.constant 3 : i32
    %dma_wait3A_167 = arith.constant 3 : i32
    %dma_wait3A_168 = arith.constant 0 : i32
    %dma_wait3A_169 = arith.constant 0 : i32
    %dma_wait3A_170 = tpu.memref_slice %arg6[%dma_wait3A_166, %dma_wait3A_168, %dma_wait3A_169] : memref<4x128x128xf32, #tpu.memory_space<vmem>> -> memref<1x128x128xf32, #tpu.memory_space<vmem>>
    %dma_wait3A_171 = tpu.memref_squeeze %dma_wait3A_170 : memref<1x128x128xf32, #tpu.memory_space<vmem>> -> memref<128x128xf32, #tpu.memory_space<vmem>>
    %dma_wait3A_172 = arith.constant 0 : i32
    %dma_wait3A_173 = tpu.memref_slice %arg5[%dma_wait3A_165, %dma_wait3A_172] : memref<200x128xi32, #tpu.memory_space<vmem>> -> memref<1x128xi32, #tpu.memory_space<vmem>>
    %dma_wait3A_174 = tpu.memref_squeeze %dma_wait3A_173 : memref<1x128xi32, #tpu.memory_space<vmem>> -> memref<128xi32, #tpu.memory_space<vmem>>
    %dma_wait3A_175 = arith.constant 0 : i32
    %dma_wait3A_176 = arith.constant 0 : i32
    %dma_wait3A_177 = tpu.memref_slice %arg3[%dma_wait3A_175, %dma_wait3A_176] : memref<100000x128xf32, #tpu.memory_space<hbm>> -> memref<100000x128xf32, #tpu.memory_space<hbm>>
    %dma_wait3A_178 = tpu.memref_slice %arg7[%dma_wait3A_167] : memref<4x!tpu.dma_semaphore, #tpu.memory_space<semaphore_mem>> -> memref<1x!tpu.dma_semaphore, #tpu.memory_space<semaphore_mem>>
    %dma_wait3A_179 = tpu.memref_squeeze %dma_wait3A_178 : memref<1x!tpu.dma_semaphore, #tpu.memory_space<semaphore_mem>> -> memref<!tpu.dma_semaphore, #tpu.memory_space<semaphore_mem>>
    tpu.wait_indirect_dma semaphore(%dma_wait3A_179 : memref<!tpu.dma_semaphore, #tpu.memory_space<semaphore_mem>>) src(%dma_wait3A_177 : memref<100000x128xf32, #tpu.memory_space<hbm>>) dst(%dma_wait3A_171 : memref<128x128xf32, #tpu.memory_space<vmem>>)
    %add3A_180 = arith.constant 25472 : i32
    %add3A_181 = arith.addi %mul3A_2, %add3A_180 : i32
    %dma_start3A_182 = arith.constant 3 : i32
    %dma_start3A_183 = arith.constant 3 : i32
    %dma_start3A_184 = arith.constant 0 : i32
    %dma_start3A_185 = arith.constant 0 : i32
    %dma_start3A_186 = tpu.memref_slice %arg6[%dma_start3A_182, %dma_start3A_184, %dma_start3A_185] : memref<4x128x128xf32, #tpu.memory_space<vmem>> -> memref<1x128x128xf32, #tpu.memory_space<vmem>>
    %dma_start3A_187 = tpu.memref_squeeze %dma_start3A_186 : memref<1x128x128xf32, #tpu.memory_space<vmem>> -> memref<128x128xf32, #tpu.memory_space<vmem>>
    %dma_start3A_188 = arith.constant 0 : i32
    %dma_start3A_189 = tpu.memref_slice %arg4[%add3A_181, %dma_start3A_188] : memref<819200x128xf32, #tpu.memory_space<hbm>> -> memref<128x128xf32, #tpu.memory_space<hbm>>
    %dma_start3A_190 = tpu.memref_slice %arg8[%dma_start3A_183] : memref<4x!tpu.dma_semaphore, #tpu.memory_space<semaphore_mem>> -> memref<1x!tpu.dma_semaphore, #tpu.memory_space<semaphore_mem>>
    %dma_start3A_191 = tpu.memref_squeeze %dma_start3A_190 : memref<1x!tpu.dma_semaphore, #tpu.memory_space<semaphore_mem>> -> memref<!tpu.dma_semaphore, #tpu.memory_space<semaphore_mem>>
    %dma_start3A_192 = arith.constant 0 : i32
    %dma_start3A_193 = tpu.memref_slice %arg4[%add3A_181, %dma_start3A_192] : memref<819200x128xf32, #tpu.memory_space<hbm>> -> memref<128x128xf32, #tpu.memory_space<hbm>>
    %dma_start3A_194 = arith.constant 0 : i32
    %dma_start3A_195 = arith.constant 0 : i32
    %dma_start3A_196 = tpu.memref_slice %arg6[%dma_start3A_182, %dma_start3A_194, %dma_start3A_195] : memref<4x128x128xf32, #tpu.memory_space<vmem>> -> memref<1x128x128xf32, #tpu.memory_space<vmem>>
    %dma_start3A_197 = tpu.memref_squeeze %dma_start3A_196 : memref<1x128x128xf32, #tpu.memory_space<vmem>> -> memref<128x128xf32, #tpu.memory_space<vmem>>
    tpu.enqueue_dma source(%dma_start3A_197 : memref<128x128xf32, #tpu.memory_space<vmem>>) target(%dma_start3A_193 : memref<128x128xf32, #tpu.memory_space<hbm>>) target_semaphore(%dma_start3A_191 : memref<!tpu.dma_semaphore, #tpu.memory_space<semaphore_mem>>)
    %add3A_198 = arith.constant 25088 : i32
    %add3A_199 = arith.addi %mul3A_2, %add3A_198 : i32
    %dma_wait3A_200 = arith.constant 0 : i32
    %dma_wait3A_201 = arith.constant 0 : i32
    %dma_wait3A_202 = arith.constant 0 : i32
    %dma_wait3A_203 = arith.constant 0 : i32
    %dma_wait3A_204 = tpu.memref_slice %arg6[%dma_wait3A_200, %dma_wait3A_202, %dma_wait3A_203] : memref<4x128x128xf32, #tpu.memory_space<vmem>> -> memref<1x128x128xf32, #tpu.memory_space<vmem>>
    %dma_wait3A_205 = tpu.memref_squeeze %dma_wait3A_204 : memref<1x128x128xf32, #tpu.memory_space<vmem>> -> memref<128x128xf32, #tpu.memory_space<vmem>>
    %dma_wait3A_206 = arith.constant 0 : i32
    %dma_wait3A_207 = tpu.memref_slice %arg4[%add3A_199, %dma_wait3A_206] : memref<819200x128xf32, #tpu.memory_space<hbm>> -> memref<128x128xf32, #tpu.memory_space<hbm>>
    %dma_wait3A_208 = tpu.memref_slice %arg8[%dma_wait3A_201] : memref<4x!tpu.dma_semaphore, #tpu.memory_space<semaphore_mem>> -> memref<1x!tpu.dma_semaphore, #tpu.memory_space<semaphore_mem>>
    %dma_wait3A_209 = tpu.memref_squeeze %dma_wait3A_208 : memref<1x!tpu.dma_semaphore, #tpu.memory_space<semaphore_mem>> -> memref<!tpu.dma_semaphore, #tpu.memory_space<semaphore_mem>>
    %dma_wait3A_210 = arith.constant 0 : i32
    %dma_wait3A_211 = tpu.memref_slice %arg4[%add3A_199, %dma_wait3A_210] : memref<819200x128xf32, #tpu.memory_space<hbm>> -> memref<128x128xf32, #tpu.memory_space<hbm>>
    %dma_wait3A_212 = arith.constant 0 : i32
    %dma_wait3A_213 = arith.constant 0 : i32
    %dma_wait3A_214 = tpu.memref_slice %arg6[%dma_wait3A_200, %dma_wait3A_212, %dma_wait3A_213] : memref<4x128x128xf32, #tpu.memory_space<vmem>> -> memref<1x128x128xf32, #tpu.memory_space<vmem>>
    %dma_wait3A_215 = tpu.memref_squeeze %dma_wait3A_214 : memref<1x128x128xf32, #tpu.memory_space<vmem>> -> memref<128x128xf32, #tpu.memory_space<vmem>>
    tpu.wait_dma2 semaphore(%dma_wait3A_209 : memref<!tpu.dma_semaphore, #tpu.memory_space<semaphore_mem>>) src(%dma_wait3A_215 : memref<128x128xf32, #tpu.memory_space<vmem>>) dst(%dma_wait3A_211 : memref<128x128xf32, #tpu.memory_space<hbm>>)
    %add3A_216 = arith.constant 25216 : i32
    %add3A_217 = arith.addi %mul3A_2, %add3A_216 : i32
    %dma_wait3A_218 = arith.constant 1 : i32
    %dma_wait3A_219 = arith.constant 1 : i32
    %dma_wait3A_220 = arith.constant 0 : i32
    %dma_wait3A_221 = arith.constant 0 : i32
    %dma_wait3A_222 = tpu.memref_slice %arg6[%dma_wait3A_218, %dma_wait3A_220, %dma_wait3A_221] : memref<4x128x128xf32, #tpu.memory_space<vmem>> -> memref<1x128x128xf32, #tpu.memory_space<vmem>>
    %dma_wait3A_223 = tpu.memref_squeeze %dma_wait3A_222 : memref<1x128x128xf32, #tpu.memory_space<vmem>> -> memref<128x128xf32, #tpu.memory_space<vmem>>
    %dma_wait3A_224 = arith.constant 0 : i32
    %dma_wait3A_225 = tpu.memref_slice %arg4[%add3A_217, %dma_wait3A_224] : memref<819200x128xf32, #tpu.memory_space<hbm>> -> memref<128x128xf32, #tpu.memory_space<hbm>>
    %dma_wait3A_226 = tpu.memref_slice %arg8[%dma_wait3A_219] : memref<4x!tpu.dma_semaphore, #tpu.memory_space<semaphore_mem>> -> memref<1x!tpu.dma_semaphore, #tpu.memory_space<semaphore_mem>>
    %dma_wait3A_227 = tpu.memref_squeeze %dma_wait3A_226 : memref<1x!tpu.dma_semaphore, #tpu.memory_space<semaphore_mem>> -> memref<!tpu.dma_semaphore, #tpu.memory_space<semaphore_mem>>
    %dma_wait3A_228 = arith.constant 0 : i32
    %dma_wait3A_229 = tpu.memref_slice %arg4[%add3A_217, %dma_wait3A_228] : memref<819200x128xf32, #tpu.memory_space<hbm>> -> memref<128x128xf32, #tpu.memory_space<hbm>>
    %dma_wait3A_230 = arith.constant 0 : i32
    %dma_wait3A_231 = arith.constant 0 : i32
    %dma_wait3A_232 = tpu.memref_slice %arg6[%dma_wait3A_218, %dma_wait3A_230, %dma_wait3A_231] : memref<4x128x128xf32, #tpu.memory_space<vmem>> -> memref<1x128x128xf32, #tpu.memory_space<vmem>>
    %dma_wait3A_233 = tpu.memref_squeeze %dma_wait3A_232 : memref<1x128x128xf32, #tpu.memory_space<vmem>> -> memref<128x128xf32, #tpu.memory_space<vmem>>
    tpu.wait_dma2 semaphore(%dma_wait3A_227 : memref<!tpu.dma_semaphore, #tpu.memory_space<semaphore_mem>>) src(%dma_wait3A_233 : memref<128x128xf32, #tpu.memory_space<vmem>>) dst(%dma_wait3A_229 : memref<128x128xf32, #tpu.memory_space<hbm>>)
    %add3A_234 = arith.constant 25344 : i32
    %add3A_235 = arith.addi %mul3A_2, %add3A_234 : i32
    %dma_wait3A_236 = arith.constant 2 : i32
    %dma_wait3A_237 = arith.constant 2 : i32
    %dma_wait3A_238 = arith.constant 0 : i32
    %dma_wait3A_239 = arith.constant 0 : i32
    %dma_wait3A_240 = tpu.memref_slice %arg6[%dma_wait3A_236, %dma_wait3A_238, %dma_wait3A_239] : memref<4x128x128xf32, #tpu.memory_space<vmem>> -> memref<1x128x128xf32, #tpu.memory_space<vmem>>
    %dma_wait3A_241 = tpu.memref_squeeze %dma_wait3A_240 : memref<1x128x128xf32, #tpu.memory_space<vmem>> -> memref<128x128xf32, #tpu.memory_space<vmem>>
    %dma_wait3A_242 = arith.constant 0 : i32
    %dma_wait3A_243 = tpu.memref_slice %arg4[%add3A_235, %dma_wait3A_242] : memref<819200x128xf32, #tpu.memory_space<hbm>> -> memref<128x128xf32, #tpu.memory_space<hbm>>
    %dma_wait3A_244 = tpu.memref_slice %arg8[%dma_wait3A_237] : memref<4x!tpu.dma_semaphore, #tpu.memory_space<semaphore_mem>> -> memref<1x!tpu.dma_semaphore, #tpu.memory_space<semaphore_mem>>
    %dma_wait3A_245 = tpu.memref_squeeze %dma_wait3A_244 : memref<1x!tpu.dma_semaphore, #tpu.memory_space<semaphore_mem>> -> memref<!tpu.dma_semaphore, #tpu.memory_space<semaphore_mem>>
    %dma_wait3A_246 = arith.constant 0 : i32
    %dma_wait3A_247 = tpu.memref_slice %arg4[%add3A_235, %dma_wait3A_246] : memref<819200x128xf32, #tpu.memory_space<hbm>> -> memref<128x128xf32, #tpu.memory_space<hbm>>
    %dma_wait3A_248 = arith.constant 0 : i32
    %dma_wait3A_249 = arith.constant 0 : i32
    %dma_wait3A_250 = tpu.memref_slice %arg6[%dma_wait3A_236, %dma_wait3A_248, %dma_wait3A_249] : memref<4x128x128xf32, #tpu.memory_space<vmem>> -> memref<1x128x128xf32, #tpu.memory_space<vmem>>
    %dma_wait3A_251 = tpu.memref_squeeze %dma_wait3A_250 : memref<1x128x128xf32, #tpu.memory_space<vmem>> -> memref<128x128xf32, #tpu.memory_space<vmem>>
    tpu.wait_dma2 semaphore(%dma_wait3A_245 : memref<!tpu.dma_semaphore, #tpu.memory_space<semaphore_mem>>) src(%dma_wait3A_251 : memref<128x128xf32, #tpu.memory_space<vmem>>) dst(%dma_wait3A_247 : memref<128x128xf32, #tpu.memory_space<hbm>>)
    %add3A_252 = arith.constant 25472 : i32
    %add3A_253 = arith.addi %mul3A_2, %add3A_252 : i32
    %dma_wait3A_254 = arith.constant 3 : i32
    %dma_wait3A_255 = arith.constant 3 : i32
    %dma_wait3A_256 = arith.constant 0 : i32
    %dma_wait3A_257 = arith.constant 0 : i32
    %dma_wait3A_258 = tpu.memref_slice %arg6[%dma_wait3A_254, %dma_wait3A_256, %dma_wait3A_257] : memref<4x128x128xf32, #tpu.memory_space<vmem>> -> memref<1x128x128xf32, #tpu.memory_space<vmem>>
    %dma_wait3A_259 = tpu.memref_squeeze %dma_wait3A_258 : memref<1x128x128xf32, #tpu.memory_space<vmem>> -> memref<128x128xf32, #tpu.memory_space<vmem>>
    %dma_wait3A_260 = arith.constant 0 : i32
    %dma_wait3A_261 = tpu.memref_slice %arg4[%add3A_253, %dma_wait3A_260] : memref<819200x128xf32, #tpu.memory_space<hbm>> -> memref<128x128xf32, #tpu.memory_space<hbm>>
    %dma_wait3A_262 = tpu.memref_slice %arg8[%dma_wait3A_255] : memref<4x!tpu.dma_semaphore, #tpu.memory_space<semaphore_mem>> -> memref<1x!tpu.dma_semaphore, #tpu.memory_space<semaphore_mem>>
    %dma_wait3A_263 = tpu.memref_squeeze %dma_wait3A_262 : memref<1x!tpu.dma_semaphore, #tpu.memory_space<semaphore_mem>> -> memref<!tpu.dma_semaphore, #tpu.memory_space<semaphore_mem>>
    %dma_wait3A_264 = arith.constant 0 : i32
    %dma_wait3A_265 = tpu.memref_slice %arg4[%add3A_253, %dma_wait3A_264] : memref<819200x128xf32, #tpu.memory_space<hbm>> -> memref<128x128xf32, #tpu.memory_space<hbm>>
    %dma_wait3A_266 = arith.constant 0 : i32
    %dma_wait3A_267 = arith.constant 0 : i32
    %dma_wait3A_268 = tpu.memref_slice %arg6[%dma_wait3A_254, %dma_wait3A_266, %dma_wait3A_267] : memref<4x128x128xf32, #tpu.memory_space<vmem>> -> memref<1x128x128xf32, #tpu.memory_space<vmem>>
    %dma_wait3A_269 = tpu.memref_squeeze %dma_wait3A_268 : memref<1x128x128xf32, #tpu.memory_space<vmem>> -> memref<128x128xf32, #tpu.memory_space<vmem>>
    tpu.wait_dma2 semaphore(%dma_wait3A_263 : memref<!tpu.dma_semaphore, #tpu.memory_space<semaphore_mem>>) src(%dma_wait3A_269 : memref<128x128xf32, #tpu.memory_space<vmem>>) dst(%dma_wait3A_265 : memref<128x128xf32, #tpu.memory_space<hbm>>)
    return
  }
}

</mosaic_0001>

<sc_bundles>
// kernel: _sc_gather.3.cloned.1.call-start
scs
__scs_entry_jumppad:
0x0: {  	(pc) =	sbr.rel $0x88, $3  }
0x1: {  	(tag) =	ssettag $0x0;
	lr =	simm.s32 $0x1  }
0x2: {  	[smem:$0x3F9F] =	sst lr;
	_ =	strace $0xD0000000  }
0x3: {  	_ = 	snop  }
0x4: {  	_ = 	snop  }
0x5: {  	_ = 	snop  }
0x6: {  	_ = 	snop  }
0x7: {  	_ = 	snop  }
__scs_overlays_trampoline_lowered:
0x8: {  	[smem:$0x3FAE] =	sst s0  }
0x9: {  	[smem:$0x3FAF] =	sst s1  }
0xa: {  	[smem:$0x3FB0] =	sst s2  }
0xb: {  	[smem:$0x3FB1] =	sst s3  }
0xc: {  	[smem:$0x3FB2] =	sst s4  }
0xd: {  	[smem:$0x3FB3] =	sst s5  }
0xe: {  	[smem:$0x3FB4] =	sst s6  }
0xf: {  	[smem:$0x3FB5] =	sst s7  }
0x10: {  	[smem:$0x3FB6] =	sst s8  }
0x11: {  	[smem:$0x3FB7] =	sst s9;
	s0 =	simm.s32 @!p0 $0x0  }
0x12: {  	s1 =	sld [smem:$0x3F9D];
	s0 =	simm.s32 @p0 $0x1  }
0x13: {  	[smem:$0x3FB8] =	sst s0;
	s0 =	simm.s32 @!p1 $0x0  }
0x14: {  	s2 =	sld [smem:$0x3F9C];
	s0 =	simm.s32 @p1 $0x1  }
0x15: {  	[smem:$0x3FB9] =	sst s0;
	s0 =	simm.s32 @!p2 $0x0  }
0x16: {  	s3 =	sld [smem:$0x3FDB];
	s0 =	simm.s32 @p2 $0x1  }
0x17: {  	s4 =	simm.s32 $0x1BF5;
	[smem:$0x3FBB] =	sst s0  }
0x18: {  	s0 =	sld [smem:$0x3F9E];
	_ =	swait.ge [sflag:s4], $0x0  }
0x19: {  	s7 =	sld [smem:$0x3F9F]  }
0x1a: {  	s8 =	sadd.s32 $0xFFFFE003, lr  }
0x1b: {  	s9 =	sadd.s32 $0xFFFFFEF7, lr;
	s5 =	simm.s32 $0xFFFFFFFF;
	p2 =	slt.u32 s8, $0xFFFFF086  }
0x1c: {  	p1 =	slt.u32 s9, $0xF7A;
	s5 =	simm.s32 @!p2 $0x0  }
0x1d: {  	s5 =	simm.s32 @p1 $0x1;
	p0 =	seq.s32 s7, s2  }
0x1e: {  	s7 =	smul.u32 @!p0 $0xF7A, s2;
	p2 =	seq.s32 @!p0 s5, $0x0  }
0x1f: {  	s9 =	smul.u32 $0xF7A, s1;
	s8 =	simm.s32 @!p0 $0x1BF5;
	p2 =	por !p2, p0  }
0x20: {  	[sflag:s8] =	ssyncset.s32 @!p0 $0xFFFFF086;
	s6 =	sadd.s32 @!p0 s3, s7;
	s7 =	simm.s32 @!p0 $0x108  }
0x21: {  	s3 =	sadd.s32 s3, s9;
	s6 =	sadd.s32 @!p0 $0x88, s6;
	s7 =	simm.s32 @p2 $0x1082  }
0x22: {  	[simem:s7], [sflag:s8] =	dma.local @!p0 [hbm:s6], $0xF7A  }
0x23: {  	s9 =	sor.u32 $0xD0000000, s2;
	s6 =	simm.s32 $0x108;
	_ =	swait.ge @!p0 [sflag:s8], $0x0  }
0x24: {  	s3 =	sadd.s32 $0x88, s3;
	s6 =	simm.s32 @!p1 $0x1082;
	[sflag:s4] =	ssyncset.s32 $0xFFFFF086  }
0x25: {  	[simem:s6], [sflag:s4] =	dma.local [hbm:s3], $0xF7A  }
0x26: {  	[smem:$0x3F9F] =	sst s1;
	(tag) =	ssettag s2;
	_ =	strace s9  }
0x27: {  	s1 =	sld [smem:$0x3FAF]  }
0x28: {  	s2 =	sld [smem:$0x3FB0]  }
0x29: {  	s4 =	sld [smem:$0x3FB2]  }
0x2a: {  	p0 =	seq.s32 s5, $0x0;
	s5 =	sld [smem:$0x3FB3]  }
0x2b: {  	s6 =	sld [smem:$0x3FB4]  }
0x2c: {  	s7 =	sld [smem:$0x3FB5]  }
0x2d: {  	s3 =	simm.s32 $0x108;
	s8 =	sld [smem:$0x3FB6]  }
0x2e: {  	s3 =	simm.s32 @!p0 $0x1082;
	s9 =	sld [smem:$0x3FB7]  }
0x2f: {  	lr =	sadd.s32 s0, s3;
	s0 =	sld [smem:$0x3FAE]  }
0x30: {  	s3 =	sld [smem:$0x3FB1]  }
0x31: {  	[smem:$0x3FBA] =	sst s10  }
0x32: {  	s10 =	sld [smem:$0x3FB8];
	_ =	sdelay $0x3  }
0x33: {  	p0 =	seq.s32 s10, $0x1;
	s10 =	sld [smem:$0x3FBA];
	_ =	sdelay $0x3  }
0x34: {  	[smem:$0x3FBA] =	sst s10  }
0x35: {  	s10 =	sld [smem:$0x3FB9];
	_ =	sdelay $0x3  }
0x36: {  	p1 =	seq.s32 s10, $0x1;
	s10 =	sld [smem:$0x3FBA];
	_ =	sdelay $0x3  }
0x37: {  	[smem:$0x3FBA] =	sst s10  }
0x38: {  	s10 =	sld [smem:$0x3FBB]  }
0x39: {  	_ = 	snop;
	(pc) =	sbr.ind lr, $3  }
0x3a: {  	_ = 	snop  }
0x3b: {  	_ = 	snop  }
0x3c: {  	p2 =	seq.s32 s10, $0x1;
	s10 =	sld [smem:$0x3FBA]  }
0x3d: {  	_ =	shalt  }
0x3e: {  	_ =	shalt  }
0x3f: {  	_ =	shalt  }
0x40: {  	_ =	shalt  }
0x41: {  	_ =	shalt  }
0x42: {  	_ =	shalt  }
0x43: {  	_ =	shalt  }
0x44: {  	_ =	shalt  }
0x45: {  	_ =	shalt  }
0x46: {  	_ =	shalt  }
0x47: {  	_ =	shalt  }
0x48: {  	_ =	shalt  }
0x49: {  	_ =	shalt  }
0x4a: {  	_ =	shalt  }
0x4b: {  	_ =	shalt  }
0x4c: {  	_ =	shalt  }
0x4d: {  	_ =	shalt  }
0x4e: {  	_ =	shalt  }
0x4f: {  	_ =	shalt  }
0x50: {  	_ =	shalt  }
0x51: {  	_ =	shalt  }
0x52: {  	_ =	shalt  }
0x53: {  	_ =	shalt  }
0x54: {  	_ =	shalt  }
0x55: {  	_ =	shalt  }
0x56: {  	_ =	shalt  }
0x57: {  	_ =	shalt  }
0x58: {  	_ =	shalt  }
0x59: {  	_ =	shalt  }
0x5a: {  	_ =	shalt  }
0x5b: {  	_ =	shalt  }
0x5c: {  	_ =	shalt  }
0x5d: {  	_ =	shalt  }
0x5e: {  	_ =	shalt  }
0x5f: {  	_ =	shalt  }
0x60: {  	_ =	shalt  }
0x61: {  	_ =	shalt  }
0x62: {  	_ =	shalt  }
0x63: {  	_ =	shalt  }
0x64: {  	_ =	shalt  }
0x65: {  	_ =	shalt  }
0x66: {  	_ =	shalt  }
0x67: {  	_ =	shalt  }
0x68: {  	_ =	shalt  }
0x69: {  	_ =	shalt  }
0x6a: {  	_ =	shalt  }
0x6b: {  	_ =	shalt  }
0x6c: {  	_ =	shalt  }
0x6d: {  	_ =	shalt  }
0x6e: {  	_ =	shalt  }
0x6f: {  	_ =	shalt  }
0x70: {  	_ =	shalt  }
0x71: {  	_ =	shalt  }
0x72: {  	_ =	shalt  }
0x73: {  	_ =	shalt  }
0x74: {  	_ =	shalt  }
0x75: {  	_ =	shalt  }
0x76: {  	_ =	shalt  }
0x77: {  	_ =	shalt  }
0x78: {  	_ =	shalt  }
0x79: {  	_ =	shalt  }
0x7a: {  	_ =	shalt  }
0x7b: {  	_ =	shalt  }
0x7c: {  	_ =	shalt  }
0x7d: {  	_ =	shalt  }
0x7e: {  	_ =	shalt  }
0x7f: {  	_ =	shalt  }
0x80: {  	_ =	shalt  }
0x81: {  	_ =	shalt  }
0x82: {  	_ =	shalt  }
0x83: {  	_ =	shalt  }
0x84: {  	_ =	shalt  }
0x85: {  	_ =	shalt  }
0x86: {  	_ =	shalt  }
0x87: {  	_ =	shalt  }
.Lfunc_end0:
.L_simem_size_0:
called_computation_lowered:
.L_overlay_start_0:
0x88: {  	s2 =	sld [smem:$0x3FD9]  }
0x89: {  	s3 =	sld [smem:$0x3FFE];
	_ =	sdelay $0x1  }
0x8a: {  	s1 =	srdreg.scid  }
0x8b: {  	s0 =	sand.u32 $0x1, s1  }
0x8c: {  	s18 =	sshll.u32 s0, $0xA;
	s2 =	sadd.s32 s3, s2  }
0x8d: {  	s2 =	sadd.s32 s2, s18  }
0x8e: {  	[smem:$0x3FC6] =	sst s2  }
0x8f: {  	_ = 	snop  }
0x90: {  	s2 =	sld [smem:$0x3FC9]  }
0x91: {  	s19 =	sld [smem:$0x3FC8]  }
0x92: {  	s4 =	sld [smem:$0x3FD0];
	(tm) =	ssettm $0x1  }
0x93: {  	s5 =	sld [smem:$0x3FFB];
	_ =	sdelay $0x3  }
0x94: {  	_ =	strace s5  }
0x95: {  	s5 =	sld [smem:$0x3FFC];
	_ =	sdelay $0x3  }
0x96: {  	_ =	strace s5  }
0x97: {  	s5 =	sld [smem:$0x3FFD];
	_ =	sdelay $0x3  }
0x98: {  	_ =	strace s5  }
0x99: {  	_ =	strace $0x8FFFFFFF  }
0x9a: {  	s20 =	sld [smem:$0x3FDB];
	_ =	sdelay $0x1  }
0x9b: {  	s6 =	simm.s32 $_scs_section_size  }
0x9c: {  	s7 =	simm.s32 $_size__tile_overlayer_lowered;
	s8 =	simm.s32 $_tile_overlayer_lowered  }
0x9d: {  	s23 =	simm.s32 $0x1BFF;
	s22 =	sshll.u32 s8, $0x1;
	s5 =	sadd.s32 s6, s20  }
0x9e: {  	s9 =	simm.s32 $0x0;
	s21 =	sshll.u32 s7, $0x1;
	s7 =	sadd.s32 s22, s5  }
0x9f: {  	[timem:s9], [sflag:s23] =	dma.local [hbm:s7], s21  }
0xa0: {  	_ =	swait.ge [sflag:s23], s21  }
0xa1: {  	s6 =	ssub.s32 $0x0, s21;
	[sflag:s23] =	ssyncset.done $0x0  }
0xa2: {  	[sflag:s23] =	ssyncadd.s32 s6;
	_ =	sdelay $0x1  }
0xa3: {  	s24 =	simm.s32 $0x1B8B  }
0xa4: {  	_ =	swait.ge [sflag:s24], $0x1  }
0xa5: {  	[sflag:s24] =	ssyncset.done $0x0  }
0xa6: {  	s25 =	simm.s32 $0x1B8E;
	[sflag:s24] =	ssyncadd.s32 $0xFFFFFFFF  }
0xa7: {  	s26 =	simm.s32 $execute0_lowered;
	[smem:$0x3FD2] =	sst s25  }
0xa8: {  	s6 =	sshll.u32 s26, $0x1;
	_ =	strace $0x80000046;
	[dreg:$0x1] =	wrdreg $0xFFFFFFFF  }
0xa9: {  	s28 =	simm.s32 $_size_execute0_lowered;
	s5 =	sadd.s32 s5, s6;
	[dreg:$0x0] =	wrdreg $0x0  }
0xaa: {  	s6 =	sshll.u32 s28, $0x1;
	[dreg:$0x2] =	wrdreg s5  }
0xab: {  	[dreg:$0x3] =	wrdreg s6  }
0xac: {  	[dreg:$0x4] =	wrdreg $0xC0  }
0xad: {  	_ =	task [dreg:s9], $0x5FFFF  }
0xae: {  	[dreg:$0x1] =	wrdreg $0xFFFFFFFF  }
0xaf: {  	[dreg:$0x0] =	wrdreg $0x60  }
0xb0: {  	[dreg:$0x2] =	wrdreg s2  }
0xb1: {  	[dreg:$0x3] =	wrdreg s19  }
0xb2: {  	[dreg:$0x4] =	wrdreg s4  }
0xb3: {  	[dreg:$0x5] =	wrdreg $0x9  }
0xb4: {  	_ =	task.clear_ibuf [dreg:s9], $0x6FFFF;
	_ =	strace $0x90000046  }
0xb5: {  	s29 =	simm.s32 $0x9;
	_ =	strace $0x80000048  }
0xb6: {  	_ =	swait.ge [sflag:s29], $0x1  }
0xb7: {  	[sflag:s29] =	ssyncadd.s32 $0xFFFFFFFF  }
0xb8: {  	_ =	strace $0x90000048  }
0xb9: {  	_ =	sfence  }
0xba: {  	s30 =	sld [smem:$0x0];
	_ =	sdelay $0x2  }
0xbb: {  	s31 =	sshll.u32 s1, $0xD;
	s1 =	sshrl.u32 s1, $0x2  }
0xbc: {  	s3 =	sand.u32 $0x4000, s31;
	s1 =	sadd.s32 s1, s30  }
0xbd: {  	s0 =	sor.u32 s3, s0;
	s1 =	sshll.u32 s1, $0x11  }
0xbe: {  	s0 =	sor.u32 s1, s0  }
0xbf: {  	s0 =	sadd.s32 $0x8F2B, s0  }
0xc0: {  	[sflag:s0] =	ssyncadd.remote.s32 $0x1  }
0xc1: {  	_ =	sfence.sel $0xFFFF  }
0xc2: {  	[dreg:$0x0] =	wrdreg $0xFFFFFFFF;
	(pc) =	sbr.abs _section_cstart, $3  }
0xc3: {  	[dreg:$0x1] =	wrdreg $0xFFFFFFFF  }
0xc4: {  	_ =	task.clear_ibuf [dreg:s9], $0x2FFFF;
	_ =	strace $0x9FFFFFFF  }
0xc5: {  	(tm) =	ssettm $0x7FFFFFFF  }
tec
execute0_lowered:
.L_overlay_start_1:
0x0: {  	(tag) =	ssettag $0x1  }
0x1: {  	s1 =	rddreg [dreg:$0x0]  }
0x2: {  	s2 =	rddreg [dreg:$0x1];
	s3 =	srdreg.scid  }
0x3: {  	s0 =	stileid.u32;
	s11 =	rddreg [dreg:$0x2]  }
0x4: {  	s14 =	simm.s32 $0x6400;
	s15 =	simm.s32 $0xA400;
	s17 =	simm.s32 $0xE400  }
0x5: {  	s18 =	simm.s32 $0x180;
	s19 =	simm.s32 $0x12400;
	s20 =	simm.s32 $0x1  }
0x6: {  	s21 =	simm.s32 $0x5;
	s22 =	simm.s32 $0x2;
	s23 =	simm.s32 $0x6  }
0x7: {  	s28 =	simm.s32 $0x8;
	s29 =	simm.s32 $0x0;
	s8 =	smul.u32 $0x640000, s0  }
0x8: {  	s9 =	sand.u32 $0x1, s3;
	s4 =	sshll.u32 s0, $0x1;
	s26 =	smul.u32 $0xC8000, s0  }
0x9: {  	s3 =	simm.s32 $0x0;
	s4 =	sor.u32 s9, s4;
	s13 =	smul.u32 $0x320000, s9  }
0xa: {  	[smem:$0x7FF] =	sst s3;
	s5 =	ssub.s32 $0x2, s9;
	s30 =	smul.u32 $0x64000, s9  }
0xb: {  	s6 =	smul.u32 $0x320000, s4;
	_ =	strace $0x80000047;
	s7 =	sshrl.u32 s5, $0x1  }
0xc: {  	s4 =	smul.u32 $0x6400, s4;
	s31 =	sadd.s32 s26, s11;
	s26 =	simm.s32 $0x4  }
0xd: {  	s10 =	ssub.s32 s5, s7;
	s25 =	sadd.s32 s13, s8;
	s13 =	simm.s32 $0x80  }
0xe: {  	s24 =	sshrl.u32 s6, $0x3;
	s4 =	sshrl.u32 s4, $0x3;
	s9 =	smax.u32 s10, $0x1  }
0xf: {  	s12 =	sadd.s32 s11, s24;
	s4 =	sadd.s32 s1, s4;
	s1 =	sshrl.u32 s25, $0x3  }
0x10: {  	s24 =	simm.s32 $0x3;
	s25 =	simm.s32 $0x7;
	s5 =	sadd.s32 $0x62000, s12  }
0x11: {  	s6 =	sadd.s32 $0x62800, s12;
	s7 =	sadd.s32 $0x63000, s12;
	s8 =	sadd.s32 $0x63800, s12  }
0x12: {  	s10 =	sadd.s32 s1, s11;
	s11 =	sadd.s32 s30, s31;
	s12 =	simm.s32 $0x9  }
.LBB2_1:
0x13: {  	[tilespmem:s3], [sflag:$0x9] =	stream.linear.gather [hbm4b:s4+s3], $0x6400, $0x38;
	[tilespmem:$0x16400] =	vst v63  }
0x14: {  	_ =	swait.ge [sflag:s12], $0x6400  }
0x15: {  	[sflag:s12] =	ssyncset.done $0x0  }
0x16: {  	[sflag:s12] =	ssyncadd.s32 $0xFFFF9C00  }
0x17: {  	[tilespmem:s14], [sflag:$0x1] =	stream.indirect.gather [hbm4b:s2+s13], $0x80, s3, s13, $0xb8;
	[tilespmem:$0x16400] =	vst v63  }
0x18: {  	_ = 	snop  }
0x19: {  	[tilespmem:s15], [sflag:$0x2] =	stream.indirect.gather [hbm4b:s2+s13], $0x80, s13, s13, $0xb8;
	[tilespmem:$0x16400] =	vst v63  }
0x1a: {  	s0 =	simm.s32 $0x100  }
0x1b: {  	[tilespmem:s17], [sflag:$0x3] =	stream.indirect.gather [hbm4b:s2+s13], $0x80, s0, s13, $0xb8;
	[tilespmem:$0x16400] =	vst v63  }
0x1c: {  	_ = 	snop  }
0x1d: {  	[tilespmem:s19], [sflag:$0x4] =	stream.indirect.gather [hbm4b:s2+s13], $0x80, s18, s13, $0xb8;
	[tilespmem:$0x16400] =	vst v63  }
0x1e: {  	_ =	swait.ge [sflag:s20], $0x4000  }
0x1f: {  	[sflag:s20] =	ssyncset.done $0x0  }
0x20: {  	s1 =	sadd.s32 $0x0, s10;
	[sflag:s20] =	ssyncadd.s32 $0xFFFFC000  }
0x21: {  	[hbm4b:s1+s3] =	stream.linear.scatter [tilespmem:s14], [sflag:$0x5], $0x4000, $0x38;
	[tilespmem:$0x16400] =	vst v63  }
0x22: {  	_ =	swait.ge [sflag:s21], $0x4000  }
0x23: {  	[sflag:s21] =	ssyncset.done $0x0  }
0x24: {  	s0 =	simm.s32 $0x200;
	[sflag:s21] =	ssyncadd.s32 $0xFFFFC000  }
0x25: {  	[tilespmem:s14], [sflag:$0x1] =	stream.indirect.gather [hbm4b:s2+s13], $0x80, s0, s13, $0xb8;
	[tilespmem:$0x16400] =	vst v63  }
0x26: {  	_ =	swait.ge [sflag:s22], $0x4000  }
0x27: {  	s16 =	sadd.s32 $0x0, s11;
	[sflag:s22] =	ssyncset.done $0x0  }
0x28: {  	s30 =	sadd.s32 $0x800, s16;
	[sflag:s22] =	ssyncadd.s32 $0xFFFFC000  }
0x29: {  	[hbm4b:s30+s3] =	stream.linear.scatter [tilespmem:s15], [sflag:$0x6], $0x4000, $0x38;
	[tilespmem:$0x16400] =	vst v63  }
0x2a: {  	_ =	swait.ge [sflag:s23], $0x4000  }
0x2b: {  	[sflag:s23] =	ssyncset.done $0x0  }
0x2c: {  	s30 =	simm.s32 $0x280;
	[sflag:s23] =	ssyncadd.s32 $0xFFFFC000  }
0x2d: {  	[tilespmem:s15], [sflag:$0x2] =	stream.indirect.gather [hbm4b:s2+s13], $0x80, s30, s13, $0xb8;
	[tilespmem:$0x16400] =	vst v63  }
0x2e: {  	_ =	swait.ge [sflag:s24], $0x4000  }
0x2f: {  	[sflag:s24] =	ssyncset.done $0x0  }
0x30: {  	s30 =	sadd.s32 $0x1000, s16;
	[sflag:s24] =	ssyncadd.s32 $0xFFFFC000  }
0x31: {  	[hbm4b:s30+s3] =	stream.linear.scatter [tilespmem:s17], [sflag:$0x7], $0x4000, $0x38;
	[tilespmem:$0x16400] =	vst v63  }
0x32: {  	_ =	swait.ge [sflag:s25], $0x4000  }
0x33: {  	[sflag:s25] =	ssyncset.done $0x0  }
0x34: {  	s30 =	simm.s32 $0x300;
	[sflag:s25] =	ssyncadd.s32 $0xFFFFC000  }
0x35: {  	[tilespmem:s17], [sflag:$0x3] =	stream.indirect.gather [hbm4b:s2+s13], $0x80, s30, s13, $0xb8;
	[tilespmem:$0x16400] =	vst v63  }
0x36: {  	_ =	swait.ge [sflag:s26], $0x4000  }
0x37: {  	[sflag:s26] =	ssyncset.done $0x0  }
0x38: {  	s1 =	sadd.s32 $0x1800, s16;
	[sflag:s26] =	ssyncadd.s32 $0xFFFFC000  }
0x39: {  	[hbm4b:s1+s3] =	stream.linear.scatter [tilespmem:s19], [sflag:$0x8], $0x4000, $0x38;
	[tilespmem:$0x16400] =	vst v63  }
0x3a: {  	_ =	swait.ge [sflag:s28], $0x4000  }
0x3b: {  	s31 =	simm.s32 $0x2000;
	[sflag:s28] =	ssyncset.done $0x0  }
0x3c: {  	s30 =	simm.s32 $0x380;
	s1 =	simm.s32 $0x580;
	[sflag:s28] =	ssyncadd.s32 $0xFFFFC000  }
.LBB2_2:
0x3d: {  	[tilespmem:s19], [sflag:$0x4] =	stream.indirect.gather [hbm4b:s2+s13], $0x80, s30, s13, $0xb8;
	[tilespmem:$0x16400] =	vst v63  }
0x3e: {  	s0 =	smov.u32 s31;
	s30 =	smov.u32 s1  }
0x3f: {  	p0 =	sne.s32 s31, $0x60000;
	s31 =	sadd.s32 $0x2000, s31;
	_ =	swait.ge [sflag:s20], $0x4000  }
0x40: {  	[sflag:s20] =	ssyncset.done $0x0  }
0x41: {  	s16 =	sadd.s32 s0, s10;
	[sflag:s20] =	ssyncadd.s32 $0xFFFFC000  }
0x42: {  	[hbm4b:s16+s3] =	stream.linear.scatter [tilespmem:s14], [sflag:$0x5], $0x4000, $0x38;
	[tilespmem:$0x16400] =	vst v63  }
0x43: {  	_ =	swait.ge [sflag:s21], $0x4000  }
0x44: {  	[sflag:s21] =	ssyncset.done $0x0  }
0x45: {  	s16 =	sadd.s32 $0xFFFFFE80, s1;
	[sflag:s21] =	ssyncadd.s32 $0xFFFFC000  }
0x46: {  	[tilespmem:s14], [sflag:$0x1] =	stream.indirect.gather [hbm4b:s2+s13], $0x80, s16, s13, $0xb8;
	[tilespmem:$0x16400] =	vst v63  }
0x47: {  	_ =	swait.ge [sflag:s22], $0x4000  }
0x48: {  	s0 =	sadd.s32 s0, s11;
	[sflag:s22] =	ssyncset.done $0x0  }
0x49: {  	s16 =	sadd.s32 $0x800, s0;
	[sflag:s22] =	ssyncadd.s32 $0xFFFFC000  }
0x4a: {  	[hbm4b:s16+s3] =	stream.linear.scatter [tilespmem:s15], [sflag:$0x6], $0x4000, $0x38;
	[tilespmem:$0x16400] =	vst v63  }
0x4b: {  	_ =	swait.ge [sflag:s23], $0x4000  }
0x4c: {  	[sflag:s23] =	ssyncset.done $0x0  }
0x4d: {  	s16 =	sadd.s32 $0xFFFFFF00, s1;
	[sflag:s23] =	ssyncadd.s32 $0xFFFFC000  }
0x4e: {  	[tilespmem:s15], [sflag:$0x2] =	stream.indirect.gather [hbm4b:s2+s13], $0x80, s16, s13, $0xb8;
	[tilespmem:$0x16400] =	vst v63  }
0x4f: {  	_ =	swait.ge [sflag:s24], $0x4000  }
0x50: {  	[sflag:s24] =	ssyncset.done $0x0  }
0x51: {  	s16 =	sadd.s32 $0x1000, s0;
	[sflag:s24] =	ssyncadd.s32 $0xFFFFC000  }
0x52: {  	[hbm4b:s16+s3] =	stream.linear.scatter [tilespmem:s17], [sflag:$0x7], $0x4000, $0x38;
	[tilespmem:$0x16400] =	vst v63  }
0x53: {  	_ =	swait.ge [sflag:s25], $0x4000  }
0x54: {  	[sflag:s25] =	ssyncset.done $0x0  }
0x55: {  	s16 =	sadd.s32 $0xFFFFFF80, s1;
	[sflag:s25] =	ssyncadd.s32 $0xFFFFC000  }
0x56: {  	[tilespmem:s17], [sflag:$0x3] =	stream.indirect.gather [hbm4b:s2+s13], $0x80, s16, s13, $0xb8;
	[tilespmem:$0x16400] =	vst v63  }
0x57: {  	_ =	swait.ge [sflag:s26], $0x4000  }
0x58: {  	[sflag:s26] =	ssyncset.done $0x0  }
.Ltmp0:
0x59: {  	s0 =	sadd.s32 $0x1800, s0;
	[sflag:s26] =	ssyncadd.s32 $0xFFFFC000;
	(pc) =	sbr.rel @p0 .LBB2_2-.Ltmp0, $4  }
0x5a: {  	[hbm4b:s0+s3] =	stream.linear.scatter [tilespmem:s19], [sflag:$0x8], $0x4000, $0x38;
	[tilespmem:$0x16400] =	vst v63  }
0x5b: {  	_ =	swait.ge [sflag:s28], $0x4000  }
0x5c: {  	[sflag:s28] =	ssyncset.done $0x0  }
0x5d: {  	s1 =	sadd.s32 $0x200, s1;
	[sflag:s28] =	ssyncadd.s32 $0xFFFFC000  }
0x5e: {  	[tilespmem:s19], [sflag:$0x4] =	stream.indirect.gather [hbm4b:s2+s13], $0x80, s30, s13, $0xb8;
	[tilespmem:$0x16400] =	vst v63  }
0x5f: {  	_ =	swait.ge [sflag:s20], $0x4000  }
0x60: {  	[sflag:s20] =	ssyncset.done $0x0  }
0x61: {  	[sflag:s20] =	ssyncadd.s32 $0xFFFFC000  }
0x62: {  	[hbm4b:s5+s3] =	stream.linear.scatter [tilespmem:s14], [sflag:$0x5], $0x4000, $0x38;
	[tilespmem:$0x16400] =	vst v63  }
0x63: {  	_ =	swait.ge [sflag:s22], $0x4000  }
0x64: {  	[sflag:s22] =	ssyncset.done $0x0  }
0x65: {  	[sflag:s22] =	ssyncadd.s32 $0xFFFFC000  }
0x66: {  	[hbm4b:s6+s3] =	stream.linear.scatter [tilespmem:s15], [sflag:$0x6], $0x4000, $0x38;
	[tilespmem:$0x16400] =	vst v63  }
0x67: {  	_ =	swait.ge [sflag:s24], $0x4000  }
0x68: {  	[sflag:s24] =	ssyncset.done $0x0  }
0x69: {  	[sflag:s24] =	ssyncadd.s32 $0xFFFFC000  }
0x6a: {  	[hbm4b:s7+s3] =	stream.linear.scatter [tilespmem:s17], [sflag:$0x7], $0x4000, $0x38;
	[tilespmem:$0x16400] =	vst v63  }
0x6b: {  	_ =	swait.ge [sflag:s26], $0x4000  }
0x6c: {  	[sflag:s26] =	ssyncset.done $0x0  }
0x6d: {  	[sflag:s26] =	ssyncadd.s32 $0xFFFFC000  }
0x6e: {  	[hbm4b:s8+s3] =	stream.linear.scatter [tilespmem:s19], [sflag:$0x8], $0x4000, $0x38;
	[tilespmem:$0x16400] =	vst v63  }
0x6f: {  	_ =	swait.ge [sflag:s21], $0x4000  }
0x70: {  	[sflag:s21] =	ssyncset.done $0x0  }
0x71: {  	[sflag:s21] =	ssyncadd.s32 $0xFFFFC000  }
0x72: {  	_ =	swait.ge [sflag:s23], $0x4000  }
0x73: {  	[sflag:s23] =	ssyncset.done $0x0  }
0x74: {  	s29 =	sadd.s32 $0x1, s29;
	[sflag:s23] =	ssyncadd.s32 $0xFFFFC000  }
0x75: {  	p0 =	sne.s32 s29, s9;
	_ =	swait.ge [sflag:s25], $0x4000  }
.Ltmp1:
0x76: {  	[sflag:s25] =	ssyncset.done $0x0;
	(pc) =	sbr.rel @p0 .LBB2_1-.Ltmp1, $4  }
0x77: {  	[sflag:s25] =	ssyncadd.s32 $0xFFFFC000  }
0x78: {  	_ =	swait.ge [sflag:s28], $0x4000  }
0x79: {  	[sflag:s28] =	ssyncset.done $0x0  }
0x7a: {  	[sflag:s28] =	ssyncadd.s32 $0xFFFFC000  }
0x7b: {  	_ =	sfence.sel $0x180000  }
0x7c: {  	[bflag:$0x0] =	sbarrier.arrive $0xFFFF  }
0x7d: {  	_ =	strace $0x90000047  }
0x7e: {  	s0 =	stileid.u32;
	[bflag:$0x2] =	sbarrier.arrive $0xFFFF  }
0x7f: {  	p0 =	sne.s32 s0, $0x0;
	s0 =	rddreg [dreg:$0x3]  }
0x80: {  	s0 =	sadd.s32 @!p0 $0x100000, s0  }
0x81: {  	[sflag:s0] =	ssyncadd.tile.s32 @!p0 $0x1;
	_ =	shalt  }
.Lfunc_end2:
_tile_overlayer_lowered:
.L_overlay_start_2:
0x82: {  	(tag) =	ssettag $0x2  }
0x83: {  	s0 =	rddreg [dreg:$0x0];
	s2 =	stileid.u32  }
0x84: {  	s1 =	rddreg [dreg:$0x1];
	p0 =	sne.s32 s2, $0x0  }
0x85: {  	s3 =	rddreg [dreg:$0x2];
	[bflag:$0x3] =	sbarrier.arrive $0xFFFF;
	s2 =	simm.s32 @!p0 $0x1C09  }
0x86: {  	[timem:s3], [sflag:s2] =	dma.local @!p0 [hbm:s0], s1  }
0x87: {  	s0 =	simm.s32 @!p0 $0x9  }
0x88: {  	_ =	swait.ge @!p0 [sflag:s0], s1  }
0x89: {  	s1 =	ssub.s32 @!p0 $0x0, s1;
	[sflag:s0] =	ssyncset.done @!p0 $0x0  }
0x8a: {  	[sflag:s0] =	ssyncadd.s32 @!p0 s1  }
0x8b: {  	[bflag:$0x3] =	sbarrier.arrive $0xFFFF  }
0x8c: {  	_ =	shalt  }

</sc_bundles>
